<compile_context>
chip_gen: v7x
topology: tpu7x:2x2x1
jax: 0.10.2.dev20260603
libtpu: 0.0.44.dev20260713+nightly
codegen_flags: <defaults>
</compile_context>

<pallas_src>
import functools

import jax
import jax.numpy as jnp
from jax import lax
from jax.experimental import pallas as pl
from jax.experimental.pallas import tpu as pltpu
from jax.experimental.pallas import tpu_sc as plsc

N = 10000
E = 320000
D = 128

NC = 2
NS = 16
NW = NC * NS
CHUNK = 128
NCHUNKS = E // CHUNK
BASE = NCHUNKS // NW
EXTRA = NCHUNKS - BASE * NW
NPAD = 10240
SEG = NPAD // NS
LANES = 16


WCHUNK = BASE * CHUNK


def _indeg_body(ei_hbm, out0_hbm, out1_hbm, idx_v, idx_x, ones_v, zeros_v, acc_sh):
    c = lax.axis_index("c")
    s = lax.axis_index("s")
    wid = s * NC + c

    for j in range(CHUNK // LANES):
        ones_v[pl.ds(j * LANES, LANES)] = jnp.full((LANES,), 1.0, jnp.float32)
    for j in range(SEG // LANES):
        zeros_v[pl.ds(j * LANES, LANES)] = jnp.zeros((LANES,), jnp.float32)

    pltpu.sync_copy(ei_hbm.at[:, pl.ds(wid * WCHUNK, WCHUNK)], idx_v)

    @pl.when(wid < EXTRA)
    def _():
        pltpu.sync_copy(ei_hbm.at[:, pl.ds(NW * WCHUNK + wid * CHUNK, CHUNK)], idx_x)

    pltpu.sync_copy(zeros_v, acc_sh.at[pl.ds(s * SEG, SEG)])
    plsc.subcore_barrier()

    def chunk(j, carry):
        pltpu.sync_copy(ones_v, acc_sh.at[idx_v.at[1, pl.ds(j * CHUNK, CHUNK)]], add=True)
        return carry

    lax.fori_loop(0, BASE, chunk, 0, unroll=False)

    @pl.when(wid < EXTRA)
    def _():
        pltpu.sync_copy(ones_v, acc_sh.at[idx_x.at[1]], add=True)

    plsc.subcore_barrier()

    @pl.when(c == 0)
    def _():
        pltpu.sync_copy(acc_sh.at[pl.ds(s * SEG, SEG)], out0_hbm.at[pl.ds(s * SEG, SEG)])

    @pl.when(c == 1)
    def _():
        pltpu.sync_copy(acc_sh.at[pl.ds(s * SEG, SEG)], out1_hbm.at[pl.ds(s * SEG, SEG)])


_indeg_kernel = functools.partial(
    pl.kernel,
    out_type=(
        jax.ShapeDtypeStruct((NPAD,), jnp.float32),
        jax.ShapeDtypeStruct((NPAD,), jnp.float32),
    ),
    mesh=plsc.VectorSubcoreMesh(core_axis_name="c", subcore_axis_name="s"),
    scratch_types=[
        pltpu.VMEM((2, WCHUNK), jnp.int32),
        pltpu.VMEM((2, CHUNK), jnp.int32),
        pltpu.VMEM((CHUNK,), jnp.float32),
        pltpu.VMEM((SEG,), jnp.float32),
        pltpu.VMEM_SHARED((NPAD,), jnp.float32),
    ],
)(_indeg_body)


BLK = 2048
CROWS = BLK // CHUNK


def _proj_body(x_ref, c0_ref, c1_ref, Wv_ref, bv_ref, Wo_ref, bo_ref, o_ref):
    v = jnp.dot(x_ref[...], Wv_ref[...], preferred_element_type=jnp.float32) + bv_ref[...]
    cnt = c0_ref[...] + c1_ref[...]
    q = lax.broadcasted_iota(jnp.int32, (BLK, CHUNK), 0)
    l = lax.broadcasted_iota(jnp.int32, (BLK, CHUNK), 1)
    rowsel = (lax.broadcasted_iota(jnp.int32, (BLK, CROWS), 0) // CHUNK
              == lax.broadcasted_iota(jnp.int32, (BLK, CROWS), 1)).astype(jnp.float32)
    a = jnp.dot(rowsel, cnt, preferred_element_type=jnp.float32)
    msum = jnp.sum(jnp.where(l == q % CHUNK, a, 0.0), axis=1, keepdims=True)
    h = jnp.where(msum > 0.0, v, 0.0)
    o_ref[...] = jnp.dot(h, Wo_ref[...], preferred_element_type=jnp.float32) + bo_ref[...]


def _proj(x, c0, c1, Wv, bv, Wo, bo):
    return pl.pallas_call(
        _proj_body,
        grid=(NPAD // BLK,),
        in_specs=[
            pl.BlockSpec((BLK, D), lambda i: (i, 0)),
            pl.BlockSpec((CROWS, CHUNK), lambda i: (i, 0)),
            pl.BlockSpec((CROWS, CHUNK), lambda i: (i, 0)),
            pl.BlockSpec((D, D), lambda i: (0, 0)),
            pl.BlockSpec((1, D), lambda i: (0, 0)),
            pl.BlockSpec((D, D), lambda i: (0, 0)),
            pl.BlockSpec((1, D), lambda i: (0, 0)),
        ],
        out_specs=pl.BlockSpec((BLK, D), lambda i: (i, 0)),
        out_shape=jax.ShapeDtypeStruct((N, D), jnp.float32),
    )(x, c0, c1, Wv, bv, Wo, bo)


def kernel(node_feats, edge_feats, edge_index, Wq, bq, Wk, bk, Wv, bv, Wb, bb, Wo, bo):
    ei = edge_index.astype(jnp.int32)
    cnt0, cnt1 = _indeg_kernel(ei)
    return _proj(node_feats, cnt0.reshape(NPAD // CHUNK, CHUNK),
                 cnt1.reshape(NPAD // CHUNK, CHUNK),
                 Wv, bv.reshape(1, D), Wo, bo.reshape(1, D))

# --- scband reference (transcript-rebuilt; emitter-appended) ---
"""Pipeline reference for scband-multiheaded-self-attention-layer-10411000726285 (READ-ONLY COPY).

The authoritative reference and input builder live on the scoring server;
editing this copy changes nothing except your own understanding.
"""

import jax, jax.numpy as jnp
import numpy as np

N = 10000
E = 320000
D = 128      # node_dim = embed_dim = output_dim
DE = 16      # edge_dim
H = 8        # num_heads
DH = D // H  # head_dim = 16


def setup_inputs(seed: int = 0) -> dict:
    key = jax.random.key(seed)
    ks = jax.random.split(key, 16)
    node_feats = jax.random.normal(ks[0], (N, D), dtype=jnp.float32)
    edge_feats = jax.random.normal(ks[1], (E, DE), dtype=jnp.float32)
    edge_index = jax.random.randint(ks[2], (2, E), 0, N, dtype=jnp.int64)
    s = 1.0 / np.sqrt(D)
    se = 1.0 / np.sqrt(DE)
    Wq = jax.random.uniform(ks[3], (D, D), jnp.float32, -s, s)
    bq = jax.random.uniform(ks[4], (D,), jnp.float32, -s, s)
    Wk = jax.random.uniform(ks[5], (D, D), jnp.float32, -s, s)
    bk = jax.random.uniform(ks[6], (D,), jnp.float32, -s, s)
    Wv = jax.random.uniform(ks[7], (D, D), jnp.float32, -s, s)
    bv = jax.random.uniform(ks[8], (D,), jnp.float32, -s, s)
    Wb = jax.random.uniform(ks[9], (DE, 1), jnp.float32, -se, se)
    bb = jax.random.uniform(ks[10], (1,), jnp.float32, -se, se)
    Wo = jax.random.uniform(ks[11], (D, D), jnp.float32, -s, s)
    bo = jax.random.uniform(ks[12], (D,), jnp.float32, -s, s)
    return {"node_feats": node_feats, "edge_feats": edge_feats, "edge_index": edge_index,
            "Wq": Wq, "bq": bq, "Wk": Wk, "bk": bk, "Wv": Wv, "bv": bv,
            "Wb": Wb, "bb": bb, "Wo": Wo, "bo": bo}


def reference(node_feats, edge_feats, edge_index, Wq, bq, Wk, bk, Wv, bv, Wb, bb, Wo, bo):
    src = edge_index[0]
    dest = edge_index[1]
    xs = jnp.take(node_feats, src, axis=0)   # [E, D] gather
    xd = jnp.take(node_feats, dest, axis=0)  # [E, D] gather
    Q = (xs @ Wq + bq).reshape(E, H, DH)
    K = (xd @ Wk + bk).reshape(E, H, DH)
    V = (xd @ Wv + bv).reshape(E, H, DH)
    bias = edge_feats @ Wb + bb              # [E, 1]
    # NOTE: original code computes head_dim ** 1 / 2 == head_dim / 2 (operator precedence); replicated faithfully
    sqrt_dk = DH / 2.0
    scores = jnp.einsum('ehd,ehd->eh', Q, K) / sqrt_dk + bias  # [E, H]
    # scatter_softmax over dest
    m = jax.ops.segment_max(scores, dest, num_segments=N)      # [N, H]
    m = jax.lax.stop_gradient(m)
    ex = jnp.exp(scores - jnp.take(m, dest, axis=0))
    denom = jax.ops.segment_sum(ex, dest, num_segments=N)      # [N, H]
    alpha = ex / jnp.take(denom, dest, axis=0)                 # [E, H]
    Hagg = jax.ops.segment_sum(alpha[..., None] * V, dest, num_segments=N)  # [N, H, DH]
    out = Hagg.reshape(N, H * DH) @ Wo + bo                    # [N, D]
    return out

if __name__ == "__main__":
    import jax
    _d = setup_inputs()
    print(jax.jit(kernel)(*tuple(_d.values())))

</pallas_src>

<mosaic_0001>
#map = affine_map<(d0, d1) -> (0, 0)>
#map1 = affine_map<(d0, d1) -> (0)>
module attributes {stable_mosaic.version = 14 : i64} {
  func.func @_indeg_body(%arg0: i32, %arg1: i32, %arg2: memref<2x320000xi32, #tpu.memory_space<hbm>>, %arg3: memref<10240xf32, #tpu.memory_space<hbm>>, %arg4: memref<10240xf32, #tpu.memory_space<hbm>>, %arg5: memref<2x9984xi32, #tpu.memory_space<vmem>>, %arg6: memref<2x128xi32, #tpu.memory_space<vmem>>, %arg7: memref<128xf32, #tpu.memory_space<vmem>>, %arg8: memref<640xf32, #tpu.memory_space<vmem>>, %arg9: memref<10240xf32, #tpu.memory_space<vmem_shared>>) attributes {dimension_semantics = [#tpu.dimension_semantics<core_parallel>, #tpu.dimension_semantics<subcore_parallel>], iteration_bounds = array<i64: 2, 16>, scalar_prefetch = 0 : i64, scratch_operands = 5 : i64, tpu.core_type = #tpu.core_type<sc_vector_subcore>, window_params = [{transform_indices = #map}, {transform_indices = #map1}, {transform_indices = #map1}]} {
    %mul3A = arith.constant 2 : i32
    %mul3A_0 = arith.muli %arg1, %mul3A : i32
    %add3A = arith.addi %mul3A_0, %arg0 : i32
    %broadcast_in_dim3A = arith.constant 1.000000e+00 : f32
    %broadcast_in_dim3A_1 = vector.broadcast %broadcast_in_dim3A : f32 to vector<16xf32>
    %swap3A = arith.constant 0 : index
    %swap3A_2 = tpu.vector_load %arg7[%swap3A] {strides = array<i32>} : memref<128xf32, #tpu.memory_space<vmem>>, vector<16xf32>,
    %swap3A_3 = vector.shape_cast %swap3A_2 : vector<16xf32> to vector<16xf32>
    %swap3A_4 = vector.shape_cast %broadcast_in_dim3A_1 : vector<16xf32> to vector<16xf32>
    tpu.vector_store %arg7[%swap3A], %swap3A_4 {strides = array<i32>} : memref<128xf32, #tpu.memory_space<vmem>>, vector<16xf32>,
    %broadcast_in_dim3A_5 = arith.constant 1.000000e+00 : f32
    %broadcast_in_dim3A_6 = vector.broadcast %broadcast_in_dim3A_5 : f32 to vector<16xf32>
    %swap3A_7 = arith.constant 16 : index
    %swap3A_8 = tpu.vector_load %arg7[%swap3A_7] {strides = array<i32>} : memref<128xf32, #tpu.memory_space<vmem>>, vector<16xf32>,
    %swap3A_9 = vector.shape_cast %swap3A_8 : vector<16xf32> to vector<16xf32>
    %swap3A_10 = vector.shape_cast %broadcast_in_dim3A_6 : vector<16xf32> to vector<16xf32>
    tpu.vector_store %arg7[%swap3A_7], %swap3A_10 {strides = array<i32>} : memref<128xf32, #tpu.memory_space<vmem>>, vector<16xf32>,
    %broadcast_in_dim3A_11 = arith.constant 1.000000e+00 : f32
    %broadcast_in_dim3A_12 = vector.broadcast %broadcast_in_dim3A_11 : f32 to vector<16xf32>
    %swap3A_13 = arith.constant 32 : index
    %swap3A_14 = tpu.vector_load %arg7[%swap3A_13] {strides = array<i32>} : memref<128xf32, #tpu.memory_space<vmem>>, vector<16xf32>,
    %swap3A_15 = vector.shape_cast %swap3A_14 : vector<16xf32> to vector<16xf32>
    %swap3A_16 = vector.shape_cast %broadcast_in_dim3A_12 : vector<16xf32> to vector<16xf32>
    tpu.vector_store %arg7[%swap3A_13], %swap3A_16 {strides = array<i32>} : memref<128xf32, #tpu.memory_space<vmem>>, vector<16xf32>,
    %broadcast_in_dim3A_17 = arith.constant 1.000000e+00 : f32
    %broadcast_in_dim3A_18 = vector.broadcast %broadcast_in_dim3A_17 : f32 to vector<16xf32>
    %swap3A_19 = arith.constant 48 : index
    %swap3A_20 = tpu.vector_load %arg7[%swap3A_19] {strides = array<i32>} : memref<128xf32, #tpu.memory_space<vmem>>, vector<16xf32>,
    %swap3A_21 = vector.shape_cast %swap3A_20 : vector<16xf32> to vector<16xf32>
    %swap3A_22 = vector.shape_cast %broadcast_in_dim3A_18 : vector<16xf32> to vector<16xf32>
    tpu.vector_store %arg7[%swap3A_19], %swap3A_22 {strides = array<i32>} : memref<128xf32, #tpu.memory_space<vmem>>, vector<16xf32>,
    %broadcast_in_dim3A_23 = arith.constant 1.000000e+00 : f32
    %broadcast_in_dim3A_24 = vector.broadcast %broadcast_in_dim3A_23 : f32 to vector<16xf32>
    %swap3A_25 = arith.constant 64 : index
    %swap3A_26 = tpu.vector_load %arg7[%swap3A_25] {strides = array<i32>} : memref<128xf32, #tpu.memory_space<vmem>>, vector<16xf32>,
    %swap3A_27 = vector.shape_cast %swap3A_26 : vector<16xf32> to vector<16xf32>
    %swap3A_28 = vector.shape_cast %broadcast_in_dim3A_24 : vector<16xf32> to vector<16xf32>
    tpu.vector_store %arg7[%swap3A_25], %swap3A_28 {strides = array<i32>} : memref<128xf32, #tpu.memory_space<vmem>>, vector<16xf32>,
    %broadcast_in_dim3A_29 = arith.constant 1.000000e+00 : f32
    %broadcast_in_dim3A_30 = vector.broadcast %broadcast_in_dim3A_29 : f32 to vector<16xf32>
    %swap3A_31 = arith.constant 80 : index
    %swap3A_32 = tpu.vector_load %arg7[%swap3A_31] {strides = array<i32>} : memref<128xf32, #tpu.memory_space<vmem>>, vector<16xf32>,
    %swap3A_33 = vector.shape_cast %swap3A_32 : vector<16xf32> to vector<16xf32>
    %swap3A_34 = vector.shape_cast %broadcast_in_dim3A_30 : vector<16xf32> to vector<16xf32>
    tpu.vector_store %arg7[%swap3A_31], %swap3A_34 {strides = array<i32>} : memref<128xf32, #tpu.memory_space<vmem>>, vector<16xf32>,
    %broadcast_in_dim3A_35 = arith.constant 1.000000e+00 : f32
    %broadcast_in_dim3A_36 = vector.broadcast %broadcast_in_dim3A_35 : f32 to vector<16xf32>
    %swap3A_37 = arith.constant 96 : index
    %swap3A_38 = tpu.vector_load %arg7[%swap3A_37] {strides = array<i32>} : memref<128xf32, #tpu.memory_space<vmem>>, vector<16xf32>,
    %swap3A_39 = vector.shape_cast %swap3A_38 : vector<16xf32> to vector<16xf32>
    %swap3A_40 = vector.shape_cast %broadcast_in_dim3A_36 : vector<16xf32> to vector<16xf32>
    tpu.vector_store %arg7[%swap3A_37], %swap3A_40 {strides = array<i32>} : memref<128xf32, #tpu.memory_space<vmem>>, vector<16xf32>,
    %broadcast_in_dim3A_41 = arith.constant 1.000000e+00 : f32
    %broadcast_in_dim3A_42 = vector.broadcast %broadcast_in_dim3A_41 : f32 to vector<16xf32>
    %swap3A_43 = arith.constant 112 : index
    %swap3A_44 = tpu.vector_load %arg7[%swap3A_43] {strides = array<i32>} : memref<128xf32, #tpu.memory_space<vmem>>, vector<16xf32>,
    %swap3A_45 = vector.shape_cast %swap3A_44 : vector<16xf32> to vector<16xf32>
    %swap3A_46 = vector.shape_cast %broadcast_in_dim3A_42 : vector<16xf32> to vector<16xf32>
    tpu.vector_store %arg7[%swap3A_43], %swap3A_46 {strides = array<i32>} : memref<128xf32, #tpu.memory_space<vmem>>, vector<16xf32>,
    %broadcast_in_dim3A_47 = arith.constant 0.000000e+00 : f32
    %broadcast_in_dim3A_48 = vector.broadcast %broadcast_in_dim3A_47 : f32 to vector<16xf32>
    %swap3A_49 = arith.constant 0 : index
    %swap3A_50 = tpu.vector_load %arg8[%swap3A_49] {strides = array<i32>} : memref<640xf32, #tpu.memory_space<vmem>>, vector<16xf32>,
    %swap3A_51 = vector.shape_cast %swap3A_50 : vector<16xf32> to vector<16xf32>
    %swap3A_52 = vector.shape_cast %broadcast_in_dim3A_48 : vector<16xf32> to vector<16xf32>
    tpu.vector_store %arg8[%swap3A_49], %swap3A_52 {strides = array<i32>} : memref<640xf32, #tpu.memory_space<vmem>>, vector<16xf32>,
    %broadcast_in_dim3A_53 = arith.constant 0.000000e+00 : f32
    %broadcast_in_dim3A_54 = vector.broadcast %broadcast_in_dim3A_53 : f32 to vector<16xf32>
    %swap3A_55 = arith.constant 16 : index
    %swap3A_56 = tpu.vector_load %arg8[%swap3A_55] {strides = array<i32>} : memref<640xf32, #tpu.memory_space<vmem>>, vector<16xf32>,
    %swap3A_57 = vector.shape_cast %swap3A_56 : vector<16xf32> to vector<16xf32>
    %swap3A_58 = vector.shape_cast %broadcast_in_dim3A_54 : vector<16xf32> to vector<16xf32>
    tpu.vector_store %arg8[%swap3A_55], %swap3A_58 {strides = array<i32>} : memref<640xf32, #tpu.memory_space<vmem>>, vector<16xf32>,
    %broadcast_in_dim3A_59 = arith.constant 0.000000e+00 : f32
    %broadcast_in_dim3A_60 = vector.broadcast %broadcast_in_dim3A_59 : f32 to vector<16xf32>
    %swap3A_61 = arith.constant 32 : index
    %swap3A_62 = tpu.vector_load %arg8[%swap3A_61] {strides = array<i32>} : memref<640xf32, #tpu.memory_space<vmem>>, vector<16xf32>,
    %swap3A_63 = vector.shape_cast %swap3A_62 : vector<16xf32> to vector<16xf32>
    %swap3A_64 = vector.shape_cast %broadcast_in_dim3A_60 : vector<16xf32> to vector<16xf32>
    tpu.vector_store %arg8[%swap3A_61], %swap3A_64 {strides = array<i32>} : memref<640xf32, #tpu.memory_space<vmem>>, vector<16xf32>,
    %broadcast_in_dim3A_65 = arith.constant 0.000000e+00 : f32
    %broadcast_in_dim3A_66 = vector.broadcast %broadcast_in_dim3A_65 : f32 to vector<16xf32>
    %swap3A_67 = arith.constant 48 : index
    %swap3A_68 = tpu.vector_load %arg8[%swap3A_67] {strides = array<i32>} : memref<640xf32, #tpu.memory_space<vmem>>, vector<16xf32>,
    %swap3A_69 = vector.shape_cast %swap3A_68 : vector<16xf32> to vector<16xf32>
    %swap3A_70 = vector.shape_cast %broadcast_in_dim3A_66 : vector<16xf32> to vector<16xf32>
    tpu.vector_store %arg8[%swap3A_67], %swap3A_70 {strides = array<i32>} : memref<640xf32, #tpu.memory_space<vmem>>, vector<16xf32>,
    %broadcast_in_dim3A_71 = arith.constant 0.000000e+00 : f32
    %broadcast_in_dim3A_72 = vector.broadcast %broadcast_in_dim3A_71 : f32 to vector<16xf32>
    %swap3A_73 = arith.constant 64 : index
    %swap3A_74 = tpu.vector_load %arg8[%swap3A_73] {strides = array<i32>} : memref<640xf32, #tpu.memory_space<vmem>>, vector<16xf32>,
    %swap3A_75 = vector.shape_cast %swap3A_74 : vector<16xf32> to vector<16xf32>
    %swap3A_76 = vector.shape_cast %broadcast_in_dim3A_72 : vector<16xf32> to vector<16xf32>
    tpu.vector_store %arg8[%swap3A_73], %swap3A_76 {strides = array<i32>} : memref<640xf32, #tpu.memory_space<vmem>>, vector<16xf32>,
    %broadcast_in_dim3A_77 = arith.constant 0.000000e+00 : f32
    %broadcast_in_dim3A_78 = vector.broadcast %broadcast_in_dim3A_77 : f32 to vector<16xf32>
    %swap3A_79 = arith.constant 80 : index
    %swap3A_80 = tpu.vector_load %arg8[%swap3A_79] {strides = array<i32>} : memref<640xf32, #tpu.memory_space<vmem>>, vector<16xf32>,
    %swap3A_81 = vector.shape_cast %swap3A_80 : vector<16xf32> to vector<16xf32>
    %swap3A_82 = vector.shape_cast %broadcast_in_dim3A_78 : vector<16xf32> to vector<16xf32>
    tpu.vector_store %arg8[%swap3A_79], %swap3A_82 {strides = array<i32>} : memref<640xf32, #tpu.memory_space<vmem>>, vector<16xf32>,
    %broadcast_in_dim3A_83 = arith.constant 0.000000e+00 : f32
    %broadcast_in_dim3A_84 = vector.broadcast %broadcast_in_dim3A_83 : f32 to vector<16xf32>
    %swap3A_85 = arith.constant 96 : index
    %swap3A_86 = tpu.vector_load %arg8[%swap3A_85] {strides = array<i32>} : memref<640xf32, #tpu.memory_space<vmem>>, vector<16xf32>,
    %swap3A_87 = vector.shape_cast %swap3A_86 : vector<16xf32> to vector<16xf32>
    %swap3A_88 = vector.shape_cast %broadcast_in_dim3A_84 : vector<16xf32> to vector<16xf32>
    tpu.vector_store %arg8[%swap3A_85], %swap3A_88 {strides = array<i32>} : memref<640xf32, #tpu.memory_space<vmem>>, vector<16xf32>,
    %broadcast_in_dim3A_89 = arith.constant 0.000000e+00 : f32
    %broadcast_in_dim3A_90 = vector.broadcast %broadcast_in_dim3A_89 : f32 to vector<16xf32>
    %swap3A_91 = arith.constant 112 : index
    %swap3A_92 = tpu.vector_load %arg8[%swap3A_91] {strides = array<i32>} : memref<640xf32, #tpu.memory_space<vmem>>, vector<16xf32>,
    %swap3A_93 = vector.shape_cast %swap3A_92 : vector<16xf32> to vector<16xf32>
    %swap3A_94 = vector.shape_cast %broadcast_in_dim3A_90 : vector<16xf32> to vector<16xf32>
    tpu.vector_store %arg8[%swap3A_91], %swap3A_94 {strides = array<i32>} : memref<640xf32, #tpu.memory_space<vmem>>, vector<16xf32>,
    %broadcast_in_dim3A_95 = arith.constant 0.000000e+00 : f32
    %broadcast_in_dim3A_96 = vector.broadcast %broadcast_in_dim3A_95 : f32 to vector<16xf32>
    %swap3A_97 = arith.constant 128 : index
    %swap3A_98 = tpu.vector_load %arg8[%swap3A_97] {strides = array<i32>} : memref<640xf32, #tpu.memory_space<vmem>>, vector<16xf32>,
    %swap3A_99 = vector.shape_cast %swap3A_98 : vector<16xf32> to vector<16xf32>
    %swap3A_100 = vector.shape_cast %broadcast_in_dim3A_96 : vector<16xf32> to vector<16xf32>
    tpu.vector_store %arg8[%swap3A_97], %swap3A_100 {strides = array<i32>} : memref<640xf32, #tpu.memory_space<vmem>>, vector<16xf32>,
    %broadcast_in_dim3A_101 = arith.constant 0.000000e+00 : f32
    %broadcast_in_dim3A_102 = vector.broadcast %broadcast_in_dim3A_101 : f32 to vector<16xf32>
    %swap3A_103 = arith.constant 144 : index
    %swap3A_104 = tpu.vector_load %arg8[%swap3A_103] {strides = array<i32>} : memref<640xf32, #tpu.memory_space<vmem>>, vector<16xf32>,
    %swap3A_105 = vector.shape_cast %swap3A_104 : vector<16xf32> to vector<16xf32>
    %swap3A_106 = vector.shape_cast %broadcast_in_dim3A_102 : vector<16xf32> to vector<16xf32>
    tpu.vector_store %arg8[%swap3A_103], %swap3A_106 {strides = array<i32>} : memref<640xf32, #tpu.memory_space<vmem>>, vector<16xf32>,
    %broadcast_in_dim3A_107 = arith.constant 0.000000e+00 : f32
    %broadcast_in_dim3A_108 = vector.broadcast %broadcast_in_dim3A_107 : f32 to vector<16xf32>
    %swap3A_109 = arith.constant 160 : index
    %swap3A_110 = tpu.vector_load %arg8[%swap3A_109] {strides = array<i32>} : memref<640xf32, #tpu.memory_space<vmem>>, vector<16xf32>,
    %swap3A_111 = vector.shape_cast %swap3A_110 : vector<16xf32> to vector<16xf32>
    %swap3A_112 = vector.shape_cast %broadcast_in_dim3A_108 : vector<16xf32> to vector<16xf32>
    tpu.vector_store %arg8[%swap3A_109], %swap3A_112 {strides = array<i32>} : memref<640xf32, #tpu.memory_space<vmem>>, vector<16xf32>,
    %broadcast_in_dim3A_113 = arith.constant 0.000000e+00 : f32
    %broadcast_in_dim3A_114 = vector.broadcast %broadcast_in_dim3A_113 : f32 to vector<16xf32>
    %swap3A_115 = arith.constant 176 : index
    %swap3A_116 = tpu.vector_load %arg8[%swap3A_115] {strides = array<i32>} : memref<640xf32, #tpu.memory_space<vmem>>, vector<16xf32>,
    %swap3A_117 = vector.shape_cast %swap3A_116 : vector<16xf32> to vector<16xf32>
    %swap3A_118 = vector.shape_cast %broadcast_in_dim3A_114 : vector<16xf32> to vector<16xf32>
    tpu.vector_store %arg8[%swap3A_115], %swap3A_118 {strides = array<i32>} : memref<640xf32, #tpu.memory_space<vmem>>, vector<16xf32>,
    %broadcast_in_dim3A_119 = arith.constant 0.000000e+00 : f32
    %broadcast_in_dim3A_120 = vector.broadcast %broadcast_in_dim3A_119 : f32 to vector<16xf32>
    %swap3A_121 = arith.constant 192 : index
    %swap3A_122 = tpu.vector_load %arg8[%swap3A_121] {strides = array<i32>} : memref<640xf32, #tpu.memory_space<vmem>>, vector<16xf32>,
    %swap3A_123 = vector.shape_cast %swap3A_122 : vector<16xf32> to vector<16xf32>
    %swap3A_124 = vector.shape_cast %broadcast_in_dim3A_120 : vector<16xf32> to vector<16xf32>
    tpu.vector_store %arg8[%swap3A_121], %swap3A_124 {strides = array<i32>} : memref<640xf32, #tpu.memory_space<vmem>>, vector<16xf32>,
    %broadcast_in_dim3A_125 = arith.constant 0.000000e+00 : f32
    %broadcast_in_dim3A_126 = vector.broadcast %broadcast_in_dim3A_125 : f32 to vector<16xf32>
    %swap3A_127 = arith.constant 208 : index
    %swap3A_128 = tpu.vector_load %arg8[%swap3A_127] {strides = array<i32>} : memref<640xf32, #tpu.memory_space<vmem>>, vector<16xf32>,
    %swap3A_129 = vector.shape_cast %swap3A_128 : vector<16xf32> to vector<16xf32>
    %swap3A_130 = vector.shape_cast %broadcast_in_dim3A_126 : vector<16xf32> to vector<16xf32>
    tpu.vector_store %arg8[%swap3A_127], %swap3A_130 {strides = array<i32>} : memref<640xf32, #tpu.memory_space<vmem>>, vector<16xf32>,
    %broadcast_in_dim3A_131 = arith.constant 0.000000e+00 : f32
    %broadcast_in_dim3A_132 = vector.broadcast %broadcast_in_dim3A_131 : f32 to vector<16xf32>
    %swap3A_133 = arith.constant 224 : index
    %swap3A_134 = tpu.vector_load %arg8[%swap3A_133] {strides = array<i32>} : memref<640xf32, #tpu.memory_space<vmem>>, vector<16xf32>,
    %swap3A_135 = vector.shape_cast %swap3A_134 : vector<16xf32> to vector<16xf32>
    %swap3A_136 = vector.shape_cast %broadcast_in_dim3A_132 : vector<16xf32> to vector<16xf32>
    tpu.vector_store %arg8[%swap3A_133], %swap3A_136 {strides = array<i32>} : memref<640xf32, #tpu.memory_space<vmem>>, vector<16xf32>,
    %broadcast_in_dim3A_137 = arith.constant 0.000000e+00 : f32
    %broadcast_in_dim3A_138 = vector.broadcast %broadcast_in_dim3A_137 : f32 to vector<16xf32>
    %swap3A_139 = arith.constant 240 : index
    %swap3A_140 = tpu.vector_load %arg8[%swap3A_139] {strides = array<i32>} : memref<640xf32, #tpu.memory_space<vmem>>, vector<16xf32>,
    %swap3A_141 = vector.shape_cast %swap3A_140 : vector<16xf32> to vector<16xf32>
    %swap3A_142 = vector.shape_cast %broadcast_in_dim3A_138 : vector<16xf32> to vector<16xf32>
    tpu.vector_store %arg8[%swap3A_139], %swap3A_142 {strides = array<i32>} : memref<640xf32, #tpu.memory_space<vmem>>, vector<16xf32>,
    %broadcast_in_dim3A_143 = arith.constant 0.000000e+00 : f32
    %broadcast_in_dim3A_144 = vector.broadcast %broadcast_in_dim3A_143 : f32 to vector<16xf32>
    %swap3A_145 = arith.constant 256 : index
    %swap3A_146 = tpu.vector_load %arg8[%swap3A_145] {strides = array<i32>} : memref<640xf32, #tpu.memory_space<vmem>>, vector<16xf32>,
    %swap3A_147 = vector.shape_cast %swap3A_146 : vector<16xf32> to vector<16xf32>
    %swap3A_148 = vector.shape_cast %broadcast_in_dim3A_144 : vector<16xf32> to vector<16xf32>
    tpu.vector_store %arg8[%swap3A_145], %swap3A_148 {strides = array<i32>} : memref<640xf32, #tpu.memory_space<vmem>>, vector<16xf32>,
    %broadcast_in_dim3A_149 = arith.constant 0.000000e+00 : f32
    %broadcast_in_dim3A_150 = vector.broadcast %broadcast_in_dim3A_149 : f32 to vector<16xf32>
    %swap3A_151 = arith.constant 272 : index
    %swap3A_152 = tpu.vector_load %arg8[%swap3A_151] {strides = array<i32>} : memref<640xf32, #tpu.memory_space<vmem>>, vector<16xf32>,
    %swap3A_153 = vector.shape_cast %swap3A_152 : vector<16xf32> to vector<16xf32>
    %swap3A_154 = vector.shape_cast %broadcast_in_dim3A_150 : vector<16xf32> to vector<16xf32>
    tpu.vector_store %arg8[%swap3A_151], %swap3A_154 {strides = array<i32>} : memref<640xf32, #tpu.memory_space<vmem>>, vector<16xf32>,
    %broadcast_in_dim3A_155 = arith.constant 0.000000e+00 : f32
    %broadcast_in_dim3A_156 = vector.broadcast %broadcast_in_dim3A_155 : f32 to vector<16xf32>
    %swap3A_157 = arith.constant 288 : index
    %swap3A_158 = tpu.vector_load %arg8[%swap3A_157] {strides = array<i32>} : memref<640xf32, #tpu.memory_space<vmem>>, vector<16xf32>,
    %swap3A_159 = vector.shape_cast %swap3A_158 : vector<16xf32> to vector<16xf32>
    %swap3A_160 = vector.shape_cast %broadcast_in_dim3A_156 : vector<16xf32> to vector<16xf32>
    tpu.vector_store %arg8[%swap3A_157], %swap3A_160 {strides = array<i32>} : memref<640xf32, #tpu.memory_space<vmem>>, vector<16xf32>,
    %broadcast_in_dim3A_161 = arith.constant 0.000000e+00 : f32
    %broadcast_in_dim3A_162 = vector.broadcast %broadcast_in_dim3A_161 : f32 to vector<16xf32>
    %swap3A_163 = arith.constant 304 : index
    %swap3A_164 = tpu.vector_load %arg8[%swap3A_163] {strides = array<i32>} : memref<640xf32, #tpu.memory_space<vmem>>, vector<16xf32>,
    %swap3A_165 = vector.shape_cast %swap3A_164 : vector<16xf32> to vector<16xf32>
    %swap3A_166 = vector.shape_cast %broadcast_in_dim3A_162 : vector<16xf32> to vector<16xf32>
    tpu.vector_store %arg8[%swap3A_163], %swap3A_166 {strides = array<i32>} : memref<640xf32, #tpu.memory_space<vmem>>, vector<16xf32>,
    %broadcast_in_dim3A_167 = arith.constant 0.000000e+00 : f32
    %broadcast_in_dim3A_168 = vector.broadcast %broadcast_in_dim3A_167 : f32 to vector<16xf32>
    %swap3A_169 = arith.constant 320 : index
    %swap3A_170 = tpu.vector_load %arg8[%swap3A_169] {strides = array<i32>} : memref<640xf32, #tpu.memory_space<vmem>>, vector<16xf32>,
    %swap3A_171 = vector.shape_cast %swap3A_170 : vector<16xf32> to vector<16xf32>
    %swap3A_172 = vector.shape_cast %broadcast_in_dim3A_168 : vector<16xf32> to vector<16xf32>
    tpu.vector_store %arg8[%swap3A_169], %swap3A_172 {strides = array<i32>} : memref<640xf32, #tpu.memory_space<vmem>>, vector<16xf32>,
    %broadcast_in_dim3A_173 = arith.constant 0.000000e+00 : f32
    %broadcast_in_dim3A_174 = vector.broadcast %broadcast_in_dim3A_173 : f32 to vector<16xf32>
    %swap3A_175 = arith.constant 336 : index
    %swap3A_176 = tpu.vector_load %arg8[%swap3A_175] {strides = array<i32>} : memref<640xf32, #tpu.memory_space<vmem>>, vector<16xf32>,
    %swap3A_177 = vector.shape_cast %swap3A_176 : vector<16xf32> to vector<16xf32>
    %swap3A_178 = vector.shape_cast %broadcast_in_dim3A_174 : vector<16xf32> to vector<16xf32>
    tpu.vector_store %arg8[%swap3A_175], %swap3A_178 {strides = array<i32>} : memref<640xf32, #tpu.memory_space<vmem>>, vector<16xf32>,
    %broadcast_in_dim3A_179 = arith.constant 0.000000e+00 : f32
    %broadcast_in_dim3A_180 = vector.broadcast %broadcast_in_dim3A_179 : f32 to vector<16xf32>
    %swap3A_181 = arith.constant 352 : index
    %swap3A_182 = tpu.vector_load %arg8[%swap3A_181] {strides = array<i32>} : memref<640xf32, #tpu.memory_space<vmem>>, vector<16xf32>,
    %swap3A_183 = vector.shape_cast %swap3A_182 : vector<16xf32> to vector<16xf32>
    %swap3A_184 = vector.shape_cast %broadcast_in_dim3A_180 : vector<16xf32> to vector<16xf32>
    tpu.vector_store %arg8[%swap3A_181], %swap3A_184 {strides = array<i32>} : memref<640xf32, #tpu.memory_space<vmem>>, vector<16xf32>,
    %broadcast_in_dim3A_185 = arith.constant 0.000000e+00 : f32
    %broadcast_in_dim3A_186 = vector.broadcast %broadcast_in_dim3A_185 : f32 to vector<16xf32>
    %swap3A_187 = arith.constant 368 : index
    %swap3A_188 = tpu.vector_load %arg8[%swap3A_187] {strides = array<i32>} : memref<640xf32, #tpu.memory_space<vmem>>, vector<16xf32>,
    %swap3A_189 = vector.shape_cast %swap3A_188 : vector<16xf32> to vector<16xf32>
    %swap3A_190 = vector.shape_cast %broadcast_in_dim3A_186 : vector<16xf32> to vector<16xf32>
    tpu.vector_store %arg8[%swap3A_187], %swap3A_190 {strides = array<i32>} : memref<640xf32, #tpu.memory_space<vmem>>, vector<16xf32>,
    %broadcast_in_dim3A_191 = arith.constant 0.000000e+00 : f32
    %broadcast_in_dim3A_192 = vector.broadcast %broadcast_in_dim3A_191 : f32 to vector<16xf32>
    %swap3A_193 = arith.constant 384 : index
    %swap3A_194 = tpu.vector_load %arg8[%swap3A_193] {strides = array<i32>} : memref<640xf32, #tpu.memory_space<vmem>>, vector<16xf32>,
    %swap3A_195 = vector.shape_cast %swap3A_194 : vector<16xf32> to vector<16xf32>
    %swap3A_196 = vector.shape_cast %broadcast_in_dim3A_192 : vector<16xf32> to vector<16xf32>
    tpu.vector_store %arg8[%swap3A_193], %swap3A_196 {strides = array<i32>} : memref<640xf32, #tpu.memory_space<vmem>>, vector<16xf32>,
    %broadcast_in_dim3A_197 = arith.constant 0.000000e+00 : f32
    %broadcast_in_dim3A_198 = vector.broadcast %broadcast_in_dim3A_197 : f32 to vector<16xf32>
    %swap3A_199 = arith.constant 400 : index
    %swap3A_200 = tpu.vector_load %arg8[%swap3A_199] {strides = array<i32>} : memref<640xf32, #tpu.memory_space<vmem>>, vector<16xf32>,
    %swap3A_201 = vector.shape_cast %swap3A_200 : vector<16xf32> to vector<16xf32>
    %swap3A_202 = vector.shape_cast %broadcast_in_dim3A_198 : vector<16xf32> to vector<16xf32>
    tpu.vector_store %arg8[%swap3A_199], %swap3A_202 {strides = array<i32>} : memref<640xf32, #tpu.memory_space<vmem>>, vector<16xf32>,
    %broadcast_in_dim3A_203 = arith.constant 0.000000e+00 : f32
    %broadcast_in_dim3A_204 = vector.broadcast %broadcast_in_dim3A_203 : f32 to vector<16xf32>
    %swap3A_205 = arith.constant 416 : index
    %swap3A_206 = tpu.vector_load %arg8[%swap3A_205] {strides = array<i32>} : memref<640xf32, #tpu.memory_space<vmem>>, vector<16xf32>,
    %swap3A_207 = vector.shape_cast %swap3A_206 : vector<16xf32> to vector<16xf32>
    %swap3A_208 = vector.shape_cast %broadcast_in_dim3A_204 : vector<16xf32> to vector<16xf32>
    tpu.vector_store %arg8[%swap3A_205], %swap3A_208 {strides = array<i32>} : memref<640xf32, #tpu.memory_space<vmem>>, vector<16xf32>,
    %broadcast_in_dim3A_209 = arith.constant 0.000000e+00 : f32
    %broadcast_in_dim3A_210 = vector.broadcast %broadcast_in_dim3A_209 : f32 to vector<16xf32>
    %swap3A_211 = arith.constant 432 : index
    %swap3A_212 = tpu.vector_load %arg8[%swap3A_211] {strides = array<i32>} : memref<640xf32, #tpu.memory_space<vmem>>, vector<16xf32>,
    %swap3A_213 = vector.shape_cast %swap3A_212 : vector<16xf32> to vector<16xf32>
    %swap3A_214 = vector.shape_cast %broadcast_in_dim3A_210 : vector<16xf32> to vector<16xf32>
    tpu.vector_store %arg8[%swap3A_211], %swap3A_214 {strides = array<i32>} : memref<640xf32, #tpu.memory_space<vmem>>, vector<16xf32>,
    %broadcast_in_dim3A_215 = arith.constant 0.000000e+00 : f32
    %broadcast_in_dim3A_216 = vector.broadcast %broadcast_in_dim3A_215 : f32 to vector<16xf32>
    %swap3A_217 = arith.constant 448 : index
    %swap3A_218 = tpu.vector_load %arg8[%swap3A_217] {strides = array<i32>} : memref<640xf32, #tpu.memory_space<vmem>>, vector<16xf32>,
    %swap3A_219 = vector.shape_cast %swap3A_218 : vector<16xf32> to vector<16xf32>
    %swap3A_220 = vector.shape_cast %broadcast_in_dim3A_216 : vector<16xf32> to vector<16xf32>
    tpu.vector_store %arg8[%swap3A_217], %swap3A_220 {strides = array<i32>} : memref<640xf32, #tpu.memory_space<vmem>>, vector<16xf32>,
    %broadcast_in_dim3A_221 = arith.constant 0.000000e+00 : f32
    %broadcast_in_dim3A_222 = vector.broadcast %broadcast_in_dim3A_221 : f32 to vector<16xf32>
    %swap3A_223 = arith.constant 464 : index
    %swap3A_224 = tpu.vector_load %arg8[%swap3A_223] {strides = array<i32>} : memref<640xf32, #tpu.memory_space<vmem>>, vector<16xf32>,
    %swap3A_225 = vector.shape_cast %swap3A_224 : vector<16xf32> to vector<16xf32>
    %swap3A_226 = vector.shape_cast %broadcast_in_dim3A_222 : vector<16xf32> to vector<16xf32>
    tpu.vector_store %arg8[%swap3A_223], %swap3A_226 {strides = array<i32>} : memref<640xf32, #tpu.memory_space<vmem>>, vector<16xf32>,
    %broadcast_in_dim3A_227 = arith.constant 0.000000e+00 : f32
    %broadcast_in_dim3A_228 = vector.broadcast %broadcast_in_dim3A_227 : f32 to vector<16xf32>
    %swap3A_229 = arith.constant 480 : index
    %swap3A_230 = tpu.vector_load %arg8[%swap3A_229] {strides = array<i32>} : memref<640xf32, #tpu.memory_space<vmem>>, vector<16xf32>,
    %swap3A_231 = vector.shape_cast %swap3A_230 : vector<16xf32> to vector<16xf32>
    %swap3A_232 = vector.shape_cast %broadcast_in_dim3A_228 : vector<16xf32> to vector<16xf32>
    tpu.vector_store %arg8[%swap3A_229], %swap3A_232 {strides = array<i32>} : memref<640xf32, #tpu.memory_space<vmem>>, vector<16xf32>,
    %broadcast_in_dim3A_233 = arith.constant 0.000000e+00 : f32
    %broadcast_in_dim3A_234 = vector.broadcast %broadcast_in_dim3A_233 : f32 to vector<16xf32>
    %swap3A_235 = arith.constant 496 : index
    %swap3A_236 = tpu.vector_load %arg8[%swap3A_235] {strides = array<i32>} : memref<640xf32, #tpu.memory_space<vmem>>, vector<16xf32>,
    %swap3A_237 = vector.shape_cast %swap3A_236 : vector<16xf32> to vector<16xf32>
    %swap3A_238 = vector.shape_cast %broadcast_in_dim3A_234 : vector<16xf32> to vector<16xf32>
    tpu.vector_store %arg8[%swap3A_235], %swap3A_238 {strides = array<i32>} : memref<640xf32, #tpu.memory_space<vmem>>, vector<16xf32>,
    %broadcast_in_dim3A_239 = arith.constant 0.000000e+00 : f32
    %broadcast_in_dim3A_240 = vector.broadcast %broadcast_in_dim3A_239 : f32 to vector<16xf32>
    %swap3A_241 = arith.constant 512 : index
    %swap3A_242 = tpu.vector_load %arg8[%swap3A_241] {strides = array<i32>} : memref<640xf32, #tpu.memory_space<vmem>>, vector<16xf32>,
    %swap3A_243 = vector.shape_cast %swap3A_242 : vector<16xf32> to vector<16xf32>
    %swap3A_244 = vector.shape_cast %broadcast_in_dim3A_240 : vector<16xf32> to vector<16xf32>
    tpu.vector_store %arg8[%swap3A_241], %swap3A_244 {strides = array<i32>} : memref<640xf32, #tpu.memory_space<vmem>>, vector<16xf32>,
    %broadcast_in_dim3A_245 = arith.constant 0.000000e+00 : f32
    %broadcast_in_dim3A_246 = vector.broadcast %broadcast_in_dim3A_245 : f32 to vector<16xf32>
    %swap3A_247 = arith.constant 528 : index
    %swap3A_248 = tpu.vector_load %arg8[%swap3A_247] {strides = array<i32>} : memref<640xf32, #tpu.memory_space<vmem>>, vector<16xf32>,
    %swap3A_249 = vector.shape_cast %swap3A_248 : vector<16xf32> to vector<16xf32>
    %swap3A_250 = vector.shape_cast %broadcast_in_dim3A_246 : vector<16xf32> to vector<16xf32>
    tpu.vector_store %arg8[%swap3A_247], %swap3A_250 {strides = array<i32>} : memref<640xf32, #tpu.memory_space<vmem>>, vector<16xf32>,
    %broadcast_in_dim3A_251 = arith.constant 0.000000e+00 : f32
    %broadcast_in_dim3A_252 = vector.broadcast %broadcast_in_dim3A_251 : f32 to vector<16xf32>
    %swap3A_253 = arith.constant 544 : index
    %swap3A_254 = tpu.vector_load %arg8[%swap3A_253] {strides = array<i32>} : memref<640xf32, #tpu.memory_space<vmem>>, vector<16xf32>,
    %swap3A_255 = vector.shape_cast %swap3A_254 : vector<16xf32> to vector<16xf32>
    %swap3A_256 = vector.shape_cast %broadcast_in_dim3A_252 : vector<16xf32> to vector<16xf32>
    tpu.vector_store %arg8[%swap3A_253], %swap3A_256 {strides = array<i32>} : memref<640xf32, #tpu.memory_space<vmem>>, vector<16xf32>,
    %broadcast_in_dim3A_257 = arith.constant 0.000000e+00 : f32
    %broadcast_in_dim3A_258 = vector.broadcast %broadcast_in_dim3A_257 : f32 to vector<16xf32>
    %swap3A_259 = arith.constant 560 : index
    %swap3A_260 = tpu.vector_load %arg8[%swap3A_259] {strides = array<i32>} : memref<640xf32, #tpu.memory_space<vmem>>, vector<16xf32>,
    %swap3A_261 = vector.shape_cast %swap3A_260 : vector<16xf32> to vector<16xf32>
    %swap3A_262 = vector.shape_cast %broadcast_in_dim3A_258 : vector<16xf32> to vector<16xf32>
    tpu.vector_store %arg8[%swap3A_259], %swap3A_262 {strides = array<i32>} : memref<640xf32, #tpu.memory_space<vmem>>, vector<16xf32>,
    %broadcast_in_dim3A_263 = arith.constant 0.000000e+00 : f32
    %broadcast_in_dim3A_264 = vector.broadcast %broadcast_in_dim3A_263 : f32 to vector<16xf32>
    %swap3A_265 = arith.constant 576 : index
    %swap3A_266 = tpu.vector_load %arg8[%swap3A_265] {strides = array<i32>} : memref<640xf32, #tpu.memory_space<vmem>>, vector<16xf32>,
    %swap3A_267 = vector.shape_cast %swap3A_266 : vector<16xf32> to vector<16xf32>
    %swap3A_268 = vector.shape_cast %broadcast_in_dim3A_264 : vector<16xf32> to vector<16xf32>
    tpu.vector_store %arg8[%swap3A_265], %swap3A_268 {strides = array<i32>} : memref<640xf32, #tpu.memory_space<vmem>>, vector<16xf32>,
    %broadcast_in_dim3A_269 = arith.constant 0.000000e+00 : f32
    %broadcast_in_dim3A_270 = vector.broadcast %broadcast_in_dim3A_269 : f32 to vector<16xf32>
    %swap3A_271 = arith.constant 592 : index
    %swap3A_272 = tpu.vector_load %arg8[%swap3A_271] {strides = array<i32>} : memref<640xf32, #tpu.memory_space<vmem>>, vector<16xf32>,
    %swap3A_273 = vector.shape_cast %swap3A_272 : vector<16xf32> to vector<16xf32>
    %swap3A_274 = vector.shape_cast %broadcast_in_dim3A_270 : vector<16xf32> to vector<16xf32>
    tpu.vector_store %arg8[%swap3A_271], %swap3A_274 {strides = array<i32>} : memref<640xf32, #tpu.memory_space<vmem>>, vector<16xf32>,
    %broadcast_in_dim3A_275 = arith.constant 0.000000e+00 : f32
    %broadcast_in_dim3A_276 = vector.broadcast %broadcast_in_dim3A_275 : f32 to vector<16xf32>
    %swap3A_277 = arith.constant 608 : index
    %swap3A_278 = tpu.vector_load %arg8[%swap3A_277] {strides = array<i32>} : memref<640xf32, #tpu.memory_space<vmem>>, vector<16xf32>,
    %swap3A_279 = vector.shape_cast %swap3A_278 : vector<16xf32> to vector<16xf32>
    %swap3A_280 = vector.shape_cast %broadcast_in_dim3A_276 : vector<16xf32> to vector<16xf32>
    tpu.vector_store %arg8[%swap3A_277], %swap3A_280 {strides = array<i32>} : memref<640xf32, #tpu.memory_space<vmem>>, vector<16xf32>,
    %broadcast_in_dim3A_281 = arith.constant 0.000000e+00 : f32
    %broadcast_in_dim3A_282 = vector.broadcast %broadcast_in_dim3A_281 : f32 to vector<16xf32>
    %swap3A_283 = arith.constant 624 : index
    %swap3A_284 = tpu.vector_load %arg8[%swap3A_283] {strides = array<i32>} : memref<640xf32, #tpu.memory_space<vmem>>, vector<16xf32>,
    %swap3A_285 = vector.shape_cast %swap3A_284 : vector<16xf32> to vector<16xf32>
    %swap3A_286 = vector.shape_cast %broadcast_in_dim3A_282 : vector<16xf32> to vector<16xf32>
    tpu.vector_store %arg8[%swap3A_283], %swap3A_286 {strides = array<i32>} : memref<640xf32, #tpu.memory_space<vmem>>, vector<16xf32>,
    %mul3A_287 = arith.constant 9984 : i32
    %mul3A_288 = arith.muli %add3A, %mul3A_287 : i32
    "tpu.region"() ({
      %run_scoped3A = tpu.sem_alloc : memref<!tpu.dma_semaphore, #tpu.memory_space<semaphore_mem>>
      %dma_start3A = arith.constant 0 : i32
      %dma_start3A_313 = tpu.memref_slice %arg2[%dma_start3A, %mul3A_288] : memref<2x320000xi32, #tpu.memory_space<hbm>> -> memref<2x9984xi32, #tpu.memory_space<hbm>>
      %dma_start3A_314 = arith.constant 0 : i32
      %dma_start3A_315 = tpu.memref_slice %arg2[%dma_start3A_314, %mul3A_288] : memref<2x320000xi32, #tpu.memory_space<hbm>> -> memref<2x9984xi32, #tpu.memory_space<hbm>>
      tpu.enqueue_dma source(%dma_start3A_315 : memref<2x9984xi32, #tpu.memory_space<hbm>>) target(%arg5 : memref<2x9984xi32, #tpu.memory_space<vmem>>) target_semaphore(%run_scoped3A : memref<!tpu.dma_semaphore, #tpu.memory_space<semaphore_mem>>)
      %dma_wait3A = arith.constant 0 : i32
      %dma_wait3A_316 = tpu.memref_slice %arg2[%dma_wait3A, %mul3A_288] : memref<2x320000xi32, #tpu.memory_space<hbm>> -> memref<2x9984xi32, #tpu.memory_space<hbm>>
      %dma_wait3A_317 = arith.constant 0 : i32
      %dma_wait3A_318 = tpu.memref_slice %arg2[%dma_wait3A_317, %mul3A_288] : memref<2x320000xi32, #tpu.memory_space<hbm>> -> memref<2x9984xi32, #tpu.memory_space<hbm>>
      tpu.wait_dma2 semaphore(%run_scoped3A : memref<!tpu.dma_semaphore, #tpu.memory_space<semaphore_mem>>) src(%dma_wait3A_318 : memref<2x9984xi32, #tpu.memory_space<hbm>>) dst(%arg5 : memref<2x9984xi32, #tpu.memory_space<vmem>>)
      tpu.yield
    }) : () -> ()
    %lt3A = arith.constant 4 : i32
    %lt3A_289 = arith.cmpi slt, %add3A, %lt3A : i32
    %convert_element_type3A = arith.extui %lt3A_289 : i1 to i32
    %cond3A = arith.constant 0 : i32
    %cond3A_290 = arith.cmpi ne, %convert_element_type3A, %cond3A : i32
    scf.if %cond3A_290 {
      %mul3A_313 = arith.constant 128 : i32
      %mul3A_314 = arith.muli %add3A, %mul3A_313 : i32
      %add3A_315 = arith.constant 319488 : i32
      %add3A_316 = arith.addi %add3A_315, %mul3A_314 : i32
      "tpu.region"() ({
        %run_scoped3A = tpu.sem_alloc : memref<!tpu.dma_semaphore, #tpu.memory_space<semaphore_mem>>
        %dma_start3A = arith.constant 0 : i32
        %dma_start3A_317 = tpu.memref_slice %arg2[%dma_start3A, %add3A_316] : memref<2x320000xi32, #tpu.memory_space<hbm>> -> memref<2x128xi32, #tpu.memory_space<hbm>>
        %dma_start3A_318 = arith.constant 0 : i32
        %dma_start3A_319 = tpu.memref_slice %arg2[%dma_start3A_318, %add3A_316] : memref<2x320000xi32, #tpu.memory_space<hbm>> -> memref<2x128xi32, #tpu.memory_space<hbm>>
        tpu.enqueue_dma source(%dma_start3A_319 : memref<2x128xi32, #tpu.memory_space<hbm>>) target(%arg6 : memref<2x128xi32, #tpu.memory_space<vmem>>) target_semaphore(%run_scoped3A : memref<!tpu.dma_semaphore, #tpu.memory_space<semaphore_mem>>)
        %dma_wait3A = arith.constant 0 : i32
        %dma_wait3A_320 = tpu.memref_slice %arg2[%dma_wait3A, %add3A_316] : memref<2x320000xi32, #tpu.memory_space<hbm>> -> memref<2x128xi32, #tpu.memory_space<hbm>>
        %dma_wait3A_321 = arith.constant 0 : i32
        %dma_wait3A_322 = tpu.memref_slice %arg2[%dma_wait3A_321, %add3A_316] : memref<2x320000xi32, #tpu.memory_space<hbm>> -> memref<2x128xi32, #tpu.memory_space<hbm>>
        tpu.wait_dma2 semaphore(%run_scoped3A : memref<!tpu.dma_semaphore, #tpu.memory_space<semaphore_mem>>) src(%dma_wait3A_322 : memref<2x128xi32, #tpu.memory_space<hbm>>) dst(%arg6 : memref<2x128xi32, #tpu.memory_space<vmem>>)
        tpu.yield
      }) : () -> ()
    } else {
    }
    %mul3A_291 = arith.constant 640 : i32
    %mul3A_292 = arith.muli %arg1, %mul3A_291 : i32
    "tpu.region"() ({
      %run_scoped3A = tpu.sem_alloc : memref<!tpu.dma_semaphore, #tpu.memory_space<semaphore_mem>>
      %dma_start3A = tpu.memref_slice %arg9[%mul3A_292] : memref<10240xf32, #tpu.memory_space<vmem_shared>> -> memref<640xf32, #tpu.memory_space<vmem_shared>>
      %dma_start3A_313 = tpu.memref_slice %arg9[%mul3A_292] : memref<10240xf32, #tpu.memory_space<vmem_shared>> -> memref<640xf32, #tpu.memory_space<vmem_shared>>
      tpu.enqueue_dma source(%arg8 : memref<640xf32, #tpu.memory_space<vmem>>) target(%dma_start3A_313 : memref<640xf32, #tpu.memory_space<vmem_shared>>) target_semaphore(%run_scoped3A : memref<!tpu.dma_semaphore, #tpu.memory_space<semaphore_mem>>)
      %dma_wait3A = tpu.memref_slice %arg9[%mul3A_292] : memref<10240xf32, #tpu.memory_space<vmem_shared>> -> memref<640xf32, #tpu.memory_space<vmem_shared>>
      %dma_wait3A_314 = tpu.memref_slice %arg9[%mul3A_292] : memref<10240xf32, #tpu.memory_space<vmem_shared>> -> memref<640xf32, #tpu.memory_space<vmem_shared>>
      tpu.wait_dma2 semaphore(%run_scoped3A : memref<!tpu.dma_semaphore, #tpu.memory_space<semaphore_mem>>) src(%arg8 : memref<640xf32, #tpu.memory_space<vmem>>) dst(%dma_wait3A_314 : memref<640xf32, #tpu.memory_space<vmem_shared>>)
      tpu.yield
    }) : () -> ()
    %barrier3A = arith.constant 0 : index
    tpu.barrier barrier_id(%barrier3A)
    %scan3A = arith.constant 0 : i32
    %scan3A_293 = arith.constant 0 : i32
    %scan3A_294 = arith.constant 78 : i32
    %scan3A_295 = arith.addi %scan3A_293, %scan3A_294 : i32
    %scan3A_296 = arith.constant 1 : i32
    scf.for %scan3A_313 = %scan3A_293 to %scan3A_295 step %scan3A_296  : i32 {
      %mul3A_314 = arith.constant 128 : i32
      %mul3A_315 = arith.muli %scan3A_313, %mul3A_314 : i32
      %run_scoped3A = arith.constant 1 : i32
      "tpu.region"() ({
        %run_scoped3A_316 = tpu.sem_alloc : memref<!tpu.dma_semaphore, #tpu.memory_space<semaphore_mem>>
        %dma_start3A = tpu.memref_slice %arg5[%run_scoped3A, %mul3A_315] : memref<2x9984xi32, #tpu.memory_space<vmem>> -> memref<1x128xi32, #tpu.memory_space<vmem>>
        %dma_start3A_317 = tpu.memref_squeeze %dma_start3A : memref<1x128xi32, #tpu.memory_space<vmem>> -> memref<128xi32, #tpu.memory_space<vmem>>
        %dma_start3A_318 = arith.constant 0 : i32
        %dma_start3A_319 = tpu.memref_slice %arg9[%dma_start3A_318] : memref<10240xf32, #tpu.memory_space<vmem_shared>> -> memref<10240xf32, #tpu.memory_space<vmem_shared>>
        tpu.enqueue_indirect_dma source(%arg7 : memref<128xf32, #tpu.memory_space<vmem>>) target(%dma_start3A_319 : memref<10240xf32, #tpu.memory_space<vmem_shared>>) offsets(%dma_start3A_317 : memref<128xi32, #tpu.memory_space<vmem>>) semaphore(%run_scoped3A_316 : memref<!tpu.dma_semaphore, #tpu.memory_space<semaphore_mem>>) {add = true}
        %dma_wait3A = tpu.memref_slice %arg5[%run_scoped3A, %mul3A_315] : memref<2x9984xi32, #tpu.memory_space<vmem>> -> memref<1x128xi32, #tpu.memory_space<vmem>>
        %dma_wait3A_320 = tpu.memref_squeeze %dma_wait3A : memref<1x128xi32, #tpu.memory_space<vmem>> -> memref<128xi32, #tpu.memory_space<vmem>>
        %dma_wait3A_321 = arith.constant 0 : i32
        %dma_wait3A_322 = tpu.memref_slice %arg9[%dma_wait3A_321] : memref<10240xf32, #tpu.memory_space<vmem_shared>> -> memref<10240xf32, #tpu.memory_space<vmem_shared>>
        tpu.wait_indirect_dma semaphore(%run_scoped3A_316 : memref<!tpu.dma_semaphore, #tpu.memory_space<semaphore_mem>>) src(%arg7 : memref<128xf32, #tpu.memory_space<vmem>>) dst(%dma_wait3A_322 : memref<10240xf32, #tpu.memory_space<vmem_shared>>)
        tpu.yield
      }) : () -> ()
    }
    %scan3A_297 = arith.constant 78 : i32
    %lt3A_298 = arith.constant 4 : i32
    %lt3A_299 = arith.cmpi slt, %add3A, %lt3A_298 : i32
    %convert_element_type3A_300 = arith.extui %lt3A_299 : i1 to i32
    %cond3A_301 = arith.constant 0 : i32
    %cond3A_302 = arith.cmpi ne, %convert_element_type3A_300, %cond3A_301 : i32
    scf.if %cond3A_302 {
      %run_scoped3A = arith.constant 1 : i32
      "tpu.region"() ({
        %run_scoped3A_313 = tpu.sem_alloc : memref<!tpu.dma_semaphore, #tpu.memory_space<semaphore_mem>>
        %dma_start3A = arith.constant 0 : i32
        %dma_start3A_314 = tpu.memref_slice %arg6[%run_scoped3A, %dma_start3A] : memref<2x128xi32, #tpu.memory_space<vmem>> -> memref<1x128xi32, #tpu.memory_space<vmem>>
        %dma_start3A_315 = tpu.memref_squeeze %dma_start3A_314 : memref<1x128xi32, #tpu.memory_space<vmem>> -> memref<128xi32, #tpu.memory_space<vmem>>
        %dma_start3A_316 = arith.constant 0 : i32
        %dma_start3A_317 = tpu.memref_slice %arg9[%dma_start3A_316] : memref<10240xf32, #tpu.memory_space<vmem_shared>> -> memref<10240xf32, #tpu.memory_space<vmem_shared>>
        tpu.enqueue_indirect_dma source(%arg7 : memref<128xf32, #tpu.memory_space<vmem>>) target(%dma_start3A_317 : memref<10240xf32, #tpu.memory_space<vmem_shared>>) offsets(%dma_start3A_315 : memref<128xi32, #tpu.memory_space<vmem>>) semaphore(%run_scoped3A_313 : memref<!tpu.dma_semaphore, #tpu.memory_space<semaphore_mem>>) {add = true}
        %dma_wait3A = arith.constant 0 : i32
        %dma_wait3A_318 = tpu.memref_slice %arg6[%run_scoped3A, %dma_wait3A] : memref<2x128xi32, #tpu.memory_space<vmem>> -> memref<1x128xi32, #tpu.memory_space<vmem>>
        %dma_wait3A_319 = tpu.memref_squeeze %dma_wait3A_318 : memref<1x128xi32, #tpu.memory_space<vmem>> -> memref<128xi32, #tpu.memory_space<vmem>>
        %dma_wait3A_320 = arith.constant 0 : i32
        %dma_wait3A_321 = tpu.memref_slice %arg9[%dma_wait3A_320] : memref<10240xf32, #tpu.memory_space<vmem_shared>> -> memref<10240xf32, #tpu.memory_space<vmem_shared>>
        tpu.wait_indirect_dma semaphore(%run_scoped3A_313 : memref<!tpu.dma_semaphore, #tpu.memory_space<semaphore_mem>>) src(%arg7 : memref<128xf32, #tpu.memory_space<vmem>>) dst(%dma_wait3A_321 : memref<10240xf32, #tpu.memory_space<vmem_shared>>)
        tpu.yield
      }) : () -> ()
    } else {
    }
    %barrier3A_303 = arith.constant 0 : index
    tpu.barrier barrier_id(%barrier3A_303)
    %eq3A = arith.constant 0 : i32
    %eq3A_304 = arith.cmpi eq, %arg0, %eq3A : i32
    %convert_element_type3A_305 = arith.extui %eq3A_304 : i1 to i32
    %cond3A_306 = arith.constant 0 : i32
    %cond3A_307 = arith.cmpi ne, %convert_element_type3A_305, %cond3A_306 : i32
    scf.if %cond3A_307 {
      %mul3A_313 = arith.constant 640 : i32
      %mul3A_314 = arith.muli %arg1, %mul3A_313 : i32
      %mul3A_315 = arith.constant 640 : i32
      %mul3A_316 = arith.muli %arg1, %mul3A_315 : i32
      "tpu.region"() ({
        %run_scoped3A = tpu.sem_alloc : memref<!tpu.dma_semaphore, #tpu.memory_space<semaphore_mem>>
        %dma_start3A = tpu.memref_slice %arg3[%mul3A_316] : memref<10240xf32, #tpu.memory_space<hbm>> -> memref<640xf32, #tpu.memory_space<hbm>>
        %dma_start3A_317 = tpu.memref_slice %arg9[%mul3A_314] : memref<10240xf32, #tpu.memory_space<vmem_shared>> -> memref<640xf32, #tpu.memory_space<vmem_shared>>
        tpu.enqueue_dma source(%dma_start3A_317 : memref<640xf32, #tpu.memory_space<vmem_shared>>) target(%dma_start3A : memref<640xf32, #tpu.memory_space<hbm>>) target_semaphore(%run_scoped3A : memref<!tpu.dma_semaphore, #tpu.memory_space<semaphore_mem>>)
        %dma_wait3A = tpu.memref_slice %arg3[%mul3A_316] : memref<10240xf32, #tpu.memory_space<hbm>> -> memref<640xf32, #tpu.memory_space<hbm>>
        %dma_wait3A_318 = tpu.memref_slice %arg9[%mul3A_314] : memref<10240xf32, #tpu.memory_space<vmem_shared>> -> memref<640xf32, #tpu.memory_space<vmem_shared>>
        tpu.wait_dma2 semaphore(%run_scoped3A : memref<!tpu.dma_semaphore, #tpu.memory_space<semaphore_mem>>) src(%dma_wait3A_318 : memref<640xf32, #tpu.memory_space<vmem_shared>>) dst(%dma_wait3A : memref<640xf32, #tpu.memory_space<hbm>>)
        tpu.yield
      }) : () -> ()
    } else {
    }
    %eq3A_308 = arith.constant 1 : i32
    %eq3A_309 = arith.cmpi eq, %arg0, %eq3A_308 : i32
    %convert_element_type3A_310 = arith.extui %eq3A_309 : i1 to i32
    %cond3A_311 = arith.constant 0 : i32
    %cond3A_312 = arith.cmpi ne, %convert_element_type3A_310, %cond3A_311 : i32
    scf.if %cond3A_312 {
      %mul3A_313 = arith.constant 640 : i32
      %mul3A_314 = arith.muli %arg1, %mul3A_313 : i32
      %mul3A_315 = arith.constant 640 : i32
      %mul3A_316 = arith.muli %arg1, %mul3A_315 : i32
      "tpu.region"() ({
        %run_scoped3A = tpu.sem_alloc : memref<!tpu.dma_semaphore, #tpu.memory_space<semaphore_mem>>
        %dma_start3A = tpu.memref_slice %arg4[%mul3A_316] : memref<10240xf32, #tpu.memory_space<hbm>> -> memref<640xf32, #tpu.memory_space<hbm>>
        %dma_start3A_317 = tpu.memref_slice %arg9[%mul3A_314] : memref<10240xf32, #tpu.memory_space<vmem_shared>> -> memref<640xf32, #tpu.memory_space<vmem_shared>>
        tpu.enqueue_dma source(%dma_start3A_317 : memref<640xf32, #tpu.memory_space<vmem_shared>>) target(%dma_start3A : memref<640xf32, #tpu.memory_space<hbm>>) target_semaphore(%run_scoped3A : memref<!tpu.dma_semaphore, #tpu.memory_space<semaphore_mem>>)
        %dma_wait3A = tpu.memref_slice %arg4[%mul3A_316] : memref<10240xf32, #tpu.memory_space<hbm>> -> memref<640xf32, #tpu.memory_space<hbm>>
        %dma_wait3A_318 = tpu.memref_slice %arg9[%mul3A_314] : memref<10240xf32, #tpu.memory_space<vmem_shared>> -> memref<640xf32, #tpu.memory_space<vmem_shared>>
        tpu.wait_dma2 semaphore(%run_scoped3A : memref<!tpu.dma_semaphore, #tpu.memory_space<semaphore_mem>>) src(%dma_wait3A_318 : memref<640xf32, #tpu.memory_space<vmem_shared>>) dst(%dma_wait3A : memref<640xf32, #tpu.memory_space<hbm>>)
        tpu.yield
      }) : () -> ()
    } else {
    }
    return
  }
}

module attributes {stable_mosaic.version = 14 : i64} {
  func.func @_proj_body(%arg0: i32, %arg1: memref<2048x128xf32, #tpu.memory_space<vmem>>, %arg2: memref<16x128xf32, #tpu.memory_space<vmem>>, %arg3: memref<16x128xf32, #tpu.memory_space<vmem>>, %arg4: memref<128x128xf32, #tpu.memory_space<vmem>>, %arg5: memref<1x128xf32, #tpu.memory_space<vmem>>, %arg6: memref<128x128xf32, #tpu.memory_space<vmem>>, %arg7: memref<1x128xf32, #tpu.memory_space<vmem>>, %arg8: memref<2048x128xf32, #tpu.memory_space<vmem>>) attributes {dimension_semantics = [#tpu.dimension_semantics<arbitrary>], iteration_bounds = array<i64: 5>, scalar_prefetch = 0 : i64, scratch_operands = 0 : i64, tpu.core_type = #tpu.core_type<tc>, window_params = [{transform_indices = @transform_0, window_bounds = array<i64: 2048, 128>}, {transform_indices = @transform_1, window_bounds = array<i64: 16, 128>}, {transform_indices = @transform_2, window_bounds = array<i64: 16, 128>}, {pipeline_mode = #tpu.pipeline_mode<synchronous>, transform_indices = @transform_3, window_bounds = array<i64: 128, 128>}, {pipeline_mode = #tpu.pipeline_mode<synchronous>, transform_indices = @transform_4, window_bounds = array<i64: 1, 128>}, {pipeline_mode = #tpu.pipeline_mode<synchronous>, transform_indices = @transform_5, window_bounds = array<i64: 128, 128>}, {pipeline_mode = #tpu.pipeline_mode<synchronous>, transform_indices = @transform_6, window_bounds = array<i64: 1, 128>}, {transform_indices = @transform_7, window_bounds = array<i64: 2048, 128>}]} {
    %get3A = arith.constant 0 : index
    %get3A_0 = arith.constant 0 : index
    %get3A_1 = vector.load %arg1[%get3A, %get3A_0] : memref<2048x128xf32, #tpu.memory_space<vmem>>, vector<2048x128xf32>
    %get3A_2 = arith.constant 0 : index
    %get3A_3 = arith.constant 0 : index
    %get3A_4 = vector.load %arg4[%get3A_2, %get3A_3] : memref<128x128xf32, #tpu.memory_space<vmem>>, vector<128x128xf32>
    %dot_general3A = arith.constant dense<0.000000e+00> : vector<2048x128xf32>
    %dot_general3A_5 = tpu.matmul %get3A_1, %get3A_4, %dot_general3A {dimension_numbers = #tpu.dot_dimension_numbers<[1], [0], [0], [1], [0, 0, 1, 1], [], []>, transpose_lhs_hint = false} : vector<2048x128xf32>, vector<128x128xf32>, vector<2048x128xf32> -> vector<2048x128xf32>
    %get3A_6 = arith.constant 0 : index
    %get3A_7 = arith.constant 0 : index
    %get3A_8 = vector.load %arg5[%get3A_6, %get3A_7] : memref<1x128xf32, #tpu.memory_space<vmem>>, vector<1x128xf32>
    %add3A = vector.broadcast %get3A_8 : vector<1x128xf32> to vector<2048x128xf32>
    %add3A_9 = arith.addf %dot_general3A_5, %add3A : vector<2048x128xf32>
    %get3A_10 = arith.constant 0 : index
    %get3A_11 = arith.constant 0 : index
    %get3A_12 = vector.load %arg2[%get3A_10, %get3A_11] : memref<16x128xf32, #tpu.memory_space<vmem>>, vector<16x128xf32>
    %get3A_13 = arith.constant 0 : index
    %get3A_14 = arith.constant 0 : index
    %get3A_15 = vector.load %arg3[%get3A_13, %get3A_14] : memref<16x128xf32, #tpu.memory_space<vmem>>, vector<16x128xf32>
    %add3A_16 = arith.addf %get3A_12, %get3A_15 : vector<16x128xf32>
    %iota3A = tpu.iota {dimensions = array<i32: 0>} : vector<2048x128xi32>
    %iota3A_17 = tpu.iota {dimensions = array<i32: 1>} : vector<2048x128xi32>
    %iota3A_18 = tpu.iota {dimensions = array<i32: 0>} : vector<2048x16xi32>
    %jit3A = arith.constant 128 : i32
    %div3A = vector.broadcast %jit3A : i32 to vector<2048x16xi32>
    %div3A_19 = arith.divsi %iota3A_18, %div3A : vector<2048x16xi32>
    %sign3A = arith.constant 0 : i32
    %sign3A_20 = vector.broadcast %sign3A : i32 to vector<2048x16xi32>
    %sign3A_21 = arith.cmpi sgt, %iota3A_18, %sign3A_20 : vector<2048x16xi32>
    %sign3A_22 = arith.extui %sign3A_21 : vector<2048x16xi1> to vector<2048x16xi32>
    %sign3A_23 = arith.constant 0 : i32
    %sign3A_24 = vector.broadcast %sign3A_23 : i32 to vector<2048x16xi32>
    %sign3A_25 = arith.cmpi slt, %iota3A_18, %sign3A_24 : vector<2048x16xi32>
    %sign3A_26 = arith.extui %sign3A_25 : vector<2048x16xi1> to vector<2048x16xi32>
    %sign3A_27 = arith.subi %sign3A_22, %sign3A_26 : vector<2048x16xi32>
    %sign3A_28 = arith.constant 0 : i32
    %sign3A_29 = arith.cmpi sgt, %jit3A, %sign3A_28 : i32
    %sign3A_30 = arith.extui %sign3A_29 : i1 to i32
    %sign3A_31 = arith.constant 0 : i32
    %sign3A_32 = arith.cmpi slt, %jit3A, %sign3A_31 : i32
    %sign3A_33 = arith.extui %sign3A_32 : i1 to i32
    %sign3A_34 = arith.subi %sign3A_30, %sign3A_33 : i32
    %ne3A = vector.broadcast %sign3A_34 : i32 to vector<2048x16xi32>
    %ne3A_35 = arith.cmpi ne, %sign3A_27, %ne3A : vector<2048x16xi32>
    %rem3A = vector.broadcast %jit3A : i32 to vector<2048x16xi32>
    %rem3A_36 = arith.remsi %iota3A_18, %rem3A : vector<2048x16xi32>
    %ne3A_37 = arith.constant 0 : i32
    %ne3A_38 = vector.broadcast %ne3A_37 : i32 to vector<2048x16xi32>
    %ne3A_39 = arith.cmpi ne, %rem3A_36, %ne3A_38 : vector<2048x16xi32>
    %and3A = arith.andi %ne3A_35, %ne3A_39 : vector<2048x16xi1>
    %sub3A = arith.constant 1 : i32
    %sub3A_40 = vector.broadcast %sub3A : i32 to vector<2048x16xi32>
    %sub3A_41 = arith.subi %div3A_19, %sub3A_40 : vector<2048x16xi32>
    %select_n3A = arith.select %and3A, %sub3A_41, %div3A_19 : vector<2048x16xi1>, vector<2048x16xi32>
    %iota3A_42 = tpu.iota {dimensions = array<i32: 1>} : vector<2048x16xi32>
    %eq3A = arith.cmpi eq, %select_n3A, %iota3A_42 : vector<2048x16xi32>
    %convert_element_type3A = arith.extui %eq3A : vector<2048x16xi1> to vector<2048x16xi32>
    %convert_element_type3A_43 = arith.sitofp %convert_element_type3A : vector<2048x16xi32> to vector<2048x16xf32>
    %dot_general3A_44 = arith.constant dense<0.000000e+00> : vector<2048x128xf32>
    %dot_general3A_45 = tpu.matmul %convert_element_type3A_43, %add3A_16, %dot_general3A_44 {dimension_numbers = #tpu.dot_dimension_numbers<[1], [0], [0], [1], [0, 0, 1, 1], [], []>, transpose_lhs_hint = false} : vector<2048x16xf32>, vector<16x128xf32>, vector<2048x128xf32> -> vector<2048x128xf32>
    %jit3A_46 = arith.constant 128 : i32
    %eq3A_47 = arith.constant 0 : i32
    %eq3A_48 = arith.cmpi eq, %jit3A_46, %eq3A_47 : i32
    %jit3A_49 = arith.constant 1 : i32
    %select_n3A_50 = arith.select %eq3A_48, %jit3A_49, %jit3A_46 : i32
    %rem3A_51 = vector.broadcast %select_n3A_50 : i32 to vector<2048x128xi32>
    %rem3A_52 = arith.remsi %iota3A, %rem3A_51 : vector<2048x128xi32>
    %ne3A_53 = arith.constant 0 : i32
    %ne3A_54 = vector.broadcast %ne3A_53 : i32 to vector<2048x128xi32>
    %ne3A_55 = arith.cmpi ne, %rem3A_52, %ne3A_54 : vector<2048x128xi32>
    %lt3A = arith.constant 0 : i32
    %lt3A_56 = vector.broadcast %lt3A : i32 to vector<2048x128xi32>
    %lt3A_57 = arith.cmpi slt, %rem3A_52, %lt3A_56 : vector<2048x128xi32>
    %lt3A_58 = arith.constant 0 : i32
    %lt3A_59 = arith.cmpi slt, %select_n3A_50, %lt3A_58 : i32
    %ne3A_60 = vector.broadcast %lt3A_59 : i1 to vector<2048x128xi1>
    %ne3A_61 = vector.broadcast %ne3A_60 : vector<2048x128xi1> to vector<2048x128xi1>
    %ne3A_62 = arith.xori %lt3A_57, %ne3A_61 : vector<2048x128xi1>
    %and3A_63 = arith.andi %ne3A_62, %ne3A_55 : vector<2048x128xi1>
    %add3A_64 = vector.broadcast %select_n3A_50 : i32 to vector<2048x128xi32>
    %add3A_65 = arith.addi %rem3A_52, %add3A_64 : vector<2048x128xi32>
    %select_n3A_66 = arith.select %and3A_63, %add3A_65, %rem3A_52 : vector<2048x128xi1>, vector<2048x128xi32>
    %eq3A_67 = arith.cmpi eq, %iota3A_17, %select_n3A_66 : vector<2048x128xi32>
    %jit3A_68 = arith.constant 0.000000e+00 : f32
    %broadcast_in_dim3A = vector.broadcast %jit3A_68 : f32 to vector<2048x128xf32>
    %select_n3A_69 = arith.select %eq3A_67, %dot_general3A_45, %broadcast_in_dim3A : vector<2048x128xi1>, vector<2048x128xf32>
    %reduce_sum3A = arith.constant dense<0.000000e+00> : vector<2048xf32>
    %reduce_sum3A_70 = vector.multi_reduction <add>, %select_n3A_69, %reduce_sum3A [1] : vector<2048x128xf32> to vector<2048xf32>
    %broadcast_in_dim3A_71 = vector.shape_cast %reduce_sum3A_70 : vector<2048xf32> to vector<2048x1xf32>
    %gt3A = arith.constant 0.000000e+00 : f32
    %gt3A_72 = vector.broadcast %gt3A : f32 to vector<2048x1xf32>
    %gt3A_73 = arith.cmpf ogt, %broadcast_in_dim3A_71, %gt3A_72 : vector<2048x1xf32>
    %jit3A_74 = arith.constant 0.000000e+00 : f32
    %broadcast_in_dim3A_75 = vector.shape_cast %gt3A_73 : vector<2048x1xi1> to vector<2048x1xi1>
    %broadcast_in_dim3A_76 = vector.broadcast %broadcast_in_dim3A_75 : vector<2048x1xi1> to vector<2048x128xi1>
    %broadcast_in_dim3A_77 = vector.broadcast %jit3A_74 : f32 to vector<2048x128xf32>
    %select_n3A_78 = arith.select %broadcast_in_dim3A_76, %add3A_9, %broadcast_in_dim3A_77 : vector<2048x128xi1>, vector<2048x128xf32>
    %get3A_79 = arith.constant 0 : index
    %get3A_80 = arith.constant 0 : index
    %get3A_81 = vector.load %arg6[%get3A_79, %get3A_80] : memref<128x128xf32, #tpu.memory_space<vmem>>, vector<128x128xf32>
    %dot_general3A_82 = arith.constant dense<0.000000e+00> : vector<2048x128xf32>
    %dot_general3A_83 = tpu.matmul %select_n3A_78, %get3A_81, %dot_general3A_82 {dimension_numbers = #tpu.dot_dimension_numbers<[1], [0], [0], [1], [0, 0, 1, 1], [], []>, transpose_lhs_hint = false} : vector<2048x128xf32>, vector<128x128xf32>, vector<2048x128xf32> -> vector<2048x128xf32>
    %get3A_84 = arith.constant 0 : index
    %get3A_85 = arith.constant 0 : index
    %get3A_86 = vector.load %arg7[%get3A_84, %get3A_85] : memref<1x128xf32, #tpu.memory_space<vmem>>, vector<1x128xf32>
    %add3A_87 = vector.broadcast %get3A_86 : vector<1x128xf32> to vector<2048x128xf32>
    %add3A_88 = arith.addf %dot_general3A_83, %add3A_87 : vector<2048x128xf32>
    %swap3A = arith.constant 0 : index
    %swap3A_89 = arith.constant 0 : index
    %swap3A_90 = vector.load %arg8[%swap3A, %swap3A_89] : memref<2048x128xf32, #tpu.memory_space<vmem>>, vector<2048x128xf32>
    tpu.vector_store %arg8[%swap3A, %swap3A_89], %add3A_88 {strides = array<i32>} : memref<2048x128xf32, #tpu.memory_space<vmem>>, vector<2048x128xf32>,
    return
  }
  func.func @transform_0(%arg0: i32) -> (i32, i32) {
    %c0_i32 = arith.constant 0 : i32
    %c0_i32_0 = arith.constant 0 : i32
    return %arg0, %c0_i32 : i32, i32
  }
  func.func @transform_1(%arg0: i32) -> (i32, i32) {
    %c0_i32 = arith.constant 0 : i32
    %c0_i32_0 = arith.constant 0 : i32
    return %arg0, %c0_i32 : i32, i32
  }
  func.func @transform_2(%arg0: i32) -> (i32, i32) {
    %c0_i32 = arith.constant 0 : i32
    %c0_i32_0 = arith.constant 0 : i32
    return %arg0, %c0_i32 : i32, i32
  }
  func.func @transform_3(%arg0: i32) -> (i32, i32) {
    %c0_i32 = arith.constant 0 : i32
    %c0_i32_0 = arith.constant 0 : i32
    %c0_i32_1 = arith.constant 0 : i32
    return %c0_i32, %c0_i32_0 : i32, i32
  }
  func.func @transform_4(%arg0: i32) -> (i32, i32) {
    %c0_i32 = arith.constant 0 : i32
    %c0_i32_0 = arith.constant 0 : i32
    %c0_i32_1 = arith.constant 0 : i32
    return %c0_i32, %c0_i32_0 : i32, i32
  }
  func.func @transform_5(%arg0: i32) -> (i32, i32) {
    %c0_i32 = arith.constant 0 : i32
    %c0_i32_0 = arith.constant 0 : i32
    %c0_i32_1 = arith.constant 0 : i32
    return %c0_i32, %c0_i32_0 : i32, i32
  }
  func.func @transform_6(%arg0: i32) -> (i32, i32) {
    %c0_i32 = arith.constant 0 : i32
    %c0_i32_0 = arith.constant 0 : i32
    %c0_i32_1 = arith.constant 0 : i32
    return %c0_i32, %c0_i32_0 : i32, i32
  }
  func.func @transform_7(%arg0: i32) -> (i32, i32) {
    %c0_i32 = arith.constant 0 : i32
    %c0_i32_0 = arith.constant 0 : i32
    return %arg0, %c0_i32 : i32, i32
  }
}

</mosaic_0001>

<sc_bundles>
// kernel: kernel.4.cloned.1.call-start
scs
__scs_entry_jumppad:
0x0: {  	(pc) =	sbr.rel $0x88, $3  }
0x1: {  	(tag) =	ssettag $0x0;
	lr =	simm.s32 $0x1  }
0x2: {  	[smem:$0x3F9B] =	sst lr;
	_ =	strace $0xD0000000  }
0x3: {  	_ = 	snop  }
0x4: {  	_ = 	snop  }
0x5: {  	_ = 	snop  }
0x6: {  	_ = 	snop  }
0x7: {  	_ = 	snop  }
__scs_overlays_trampoline_lowered:
0x8: {  	[smem:$0x3FAA] =	sst s0  }
0x9: {  	[smem:$0x3FAB] =	sst s1  }
0xa: {  	[smem:$0x3FAC] =	sst s2  }
0xb: {  	[smem:$0x3FAD] =	sst s3  }
0xc: {  	[smem:$0x3FAE] =	sst s4  }
0xd: {  	[smem:$0x3FAF] =	sst s5  }
0xe: {  	[smem:$0x3FB0] =	sst s6  }
0xf: {  	[smem:$0x3FB1] =	sst s7  }
0x10: {  	[smem:$0x3FB2] =	sst s8  }
0x11: {  	[smem:$0x3FB3] =	sst s9;
	s0 =	simm.s32 @!p0 $0x0  }
0x12: {  	s1 =	sld [smem:$0x3F99];
	s0 =	simm.s32 @p0 $0x1  }
0x13: {  	[smem:$0x3FB4] =	sst s0;
	s0 =	simm.s32 @!p1 $0x0  }
0x14: {  	s2 =	sld [smem:$0x3F98];
	s0 =	simm.s32 @p1 $0x1  }
0x15: {  	[smem:$0x3FB5] =	sst s0;
	s0 =	simm.s32 @!p2 $0x0  }
0x16: {  	s3 =	sld [smem:$0x3FDB];
	s0 =	simm.s32 @p2 $0x1  }
0x17: {  	s4 =	simm.s32 $0x1BF5;
	[smem:$0x3FB7] =	sst s0  }
0x18: {  	s0 =	sld [smem:$0x3F9A];
	_ =	swait.ge [sflag:s4], $0x0  }
0x19: {  	s7 =	sld [smem:$0x3F9B]  }
0x1a: {  	s8 =	sadd.s32 $0xFFFFE003, lr  }
0x1b: {  	s9 =	sadd.s32 $0xFFFFFEF7, lr;
	s5 =	simm.s32 $0xFFFFFFFF;
	p2 =	slt.u32 s8, $0xFFFFF086  }
0x1c: {  	p1 =	slt.u32 s9, $0xF7A;
	s5 =	simm.s32 @!p2 $0x0  }
0x1d: {  	s5 =	simm.s32 @p1 $0x1;
	p0 =	seq.s32 s7, s2  }
0x1e: {  	s7 =	smul.u32 @!p0 $0xF7A, s2;
	p2 =	seq.s32 @!p0 s5, $0x0  }
0x1f: {  	s9 =	smul.u32 $0xF7A, s1;
	s8 =	simm.s32 @!p0 $0x1BF5;
	p2 =	por !p2, p0  }
0x20: {  	[sflag:s8] =	ssyncset.s32 @!p0 $0xFFFFF086;
	s6 =	sadd.s32 @!p0 s3, s7;
	s7 =	simm.s32 @!p0 $0x108  }
0x21: {  	s3 =	sadd.s32 s3, s9;
	s6 =	sadd.s32 @!p0 $0x88, s6;
	s7 =	simm.s32 @p2 $0x1082  }
0x22: {  	[simem:s7], [sflag:s8] =	dma.local @!p0 [hbm:s6], $0xF7A  }
0x23: {  	s9 =	sor.u32 $0xD0000000, s2;
	s6 =	simm.s32 $0x108;
	_ =	swait.ge @!p0 [sflag:s8], $0x0  }
0x24: {  	s3 =	sadd.s32 $0x88, s3;
	s6 =	simm.s32 @!p1 $0x1082;
	[sflag:s4] =	ssyncset.s32 $0xFFFFF086  }
0x25: {  	[simem:s6], [sflag:s4] =	dma.local [hbm:s3], $0xF7A  }
0x26: {  	[smem:$0x3F9B] =	sst s1;
	(tag) =	ssettag s2;
	_ =	strace s9  }
0x27: {  	s1 =	sld [smem:$0x3FAB]  }
0x28: {  	s2 =	sld [smem:$0x3FAC]  }
0x29: {  	s4 =	sld [smem:$0x3FAE]  }
0x2a: {  	p0 =	seq.s32 s5, $0x0;
	s5 =	sld [smem:$0x3FAF]  }
0x2b: {  	s6 =	sld [smem:$0x3FB0]  }
0x2c: {  	s7 =	sld [smem:$0x3FB1]  }
0x2d: {  	s3 =	simm.s32 $0x108;
	s8 =	sld [smem:$0x3FB2]  }
0x2e: {  	s3 =	simm.s32 @!p0 $0x1082;
	s9 =	sld [smem:$0x3FB3]  }
0x2f: {  	lr =	sadd.s32 s0, s3;
	s0 =	sld [smem:$0x3FAA]  }
0x30: {  	s3 =	sld [smem:$0x3FAD]  }
0x31: {  	[smem:$0x3FB6] =	sst s10  }
0x32: {  	s10 =	sld [smem:$0x3FB4];
	_ =	sdelay $0x3  }
0x33: {  	p0 =	seq.s32 s10, $0x1;
	s10 =	sld [smem:$0x3FB6];
	_ =	sdelay $0x3  }
0x34: {  	[smem:$0x3FB6] =	sst s10  }
0x35: {  	s10 =	sld [smem:$0x3FB5];
	_ =	sdelay $0x3  }
0x36: {  	p1 =	seq.s32 s10, $0x1;
	s10 =	sld [smem:$0x3FB6];
	_ =	sdelay $0x3  }
0x37: {  	[smem:$0x3FB6] =	sst s10  }
0x38: {  	s10 =	sld [smem:$0x3FB7]  }
0x39: {  	_ = 	snop;
	(pc) =	sbr.ind lr, $3  }
0x3a: {  	_ = 	snop  }
0x3b: {  	_ = 	snop  }
0x3c: {  	p2 =	seq.s32 s10, $0x1;
	s10 =	sld [smem:$0x3FB6]  }
0x3d: {  	_ =	shalt  }
0x3e: {  	_ =	shalt  }
0x3f: {  	_ =	shalt  }
0x40: {  	_ =	shalt  }
0x41: {  	_ =	shalt  }
0x42: {  	_ =	shalt  }
0x43: {  	_ =	shalt  }
0x44: {  	_ =	shalt  }
0x45: {  	_ =	shalt  }
0x46: {  	_ =	shalt  }
0x47: {  	_ =	shalt  }
0x48: {  	_ =	shalt  }
0x49: {  	_ =	shalt  }
0x4a: {  	_ =	shalt  }
0x4b: {  	_ =	shalt  }
0x4c: {  	_ =	shalt  }
0x4d: {  	_ =	shalt  }
0x4e: {  	_ =	shalt  }
0x4f: {  	_ =	shalt  }
0x50: {  	_ =	shalt  }
0x51: {  	_ =	shalt  }
0x52: {  	_ =	shalt  }
0x53: {  	_ =	shalt  }
0x54: {  	_ =	shalt  }
0x55: {  	_ =	shalt  }
0x56: {  	_ =	shalt  }
0x57: {  	_ =	shalt  }
0x58: {  	_ =	shalt  }
0x59: {  	_ =	shalt  }
0x5a: {  	_ =	shalt  }
0x5b: {  	_ =	shalt  }
0x5c: {  	_ =	shalt  }
0x5d: {  	_ =	shalt  }
0x5e: {  	_ =	shalt  }
0x5f: {  	_ =	shalt  }
0x60: {  	_ =	shalt  }
0x61: {  	_ =	shalt  }
0x62: {  	_ =	shalt  }
0x63: {  	_ =	shalt  }
0x64: {  	_ =	shalt  }
0x65: {  	_ =	shalt  }
0x66: {  	_ =	shalt  }
0x67: {  	_ =	shalt  }
0x68: {  	_ =	shalt  }
0x69: {  	_ =	shalt  }
0x6a: {  	_ =	shalt  }
0x6b: {  	_ =	shalt  }
0x6c: {  	_ =	shalt  }
0x6d: {  	_ =	shalt  }
0x6e: {  	_ =	shalt  }
0x6f: {  	_ =	shalt  }
0x70: {  	_ =	shalt  }
0x71: {  	_ =	shalt  }
0x72: {  	_ =	shalt  }
0x73: {  	_ =	shalt  }
0x74: {  	_ =	shalt  }
0x75: {  	_ =	shalt  }
0x76: {  	_ =	shalt  }
0x77: {  	_ =	shalt  }
0x78: {  	_ =	shalt  }
0x79: {  	_ =	shalt  }
0x7a: {  	_ =	shalt  }
0x7b: {  	_ =	shalt  }
0x7c: {  	_ =	shalt  }
0x7d: {  	_ =	shalt  }
0x7e: {  	_ =	shalt  }
0x7f: {  	_ =	shalt  }
0x80: {  	_ =	shalt  }
0x81: {  	_ =	shalt  }
0x82: {  	_ =	shalt  }
0x83: {  	_ =	shalt  }
0x84: {  	_ =	shalt  }
0x85: {  	_ =	shalt  }
0x86: {  	_ =	shalt  }
0x87: {  	_ =	shalt  }
.Lfunc_end0:
.L_simem_size_0:
called_computation_lowered:
.L_overlay_start_0:
0x88: {  	s2 =	sld [smem:$0x3FD9]  }
0x89: {  	s3 =	sld [smem:$0x3FFE];
	_ =	sdelay $0x1  }
0x8a: {  	s1 =	srdreg.scid  }
0x8b: {  	s0 =	sand.u32 $0x1, s1  }
0x8c: {  	s17 =	sshll.u32 s0, $0xA;
	s2 =	sadd.s32 s3, s2  }
0x8d: {  	s2 =	sadd.s32 s2, s17  }
0x8e: {  	[smem:$0x3FC2] =	sst s2  }
0x8f: {  	_ = 	snop  }
0x90: {  	s2 =	sld [smem:$0x3FC8]  }
0x91: {  	s18 =	sld [smem:$0x3FD0];
	(tm) =	ssettm $0x1  }
0x92: {  	s4 =	sld [smem:$0x3FFB];
	_ =	sdelay $0x3  }
0x93: {  	_ =	strace s4  }
0x94: {  	s4 =	sld [smem:$0x3FFC];
	_ =	sdelay $0x3  }
0x95: {  	_ =	strace s4  }
0x96: {  	s4 =	sld [smem:$0x3FFD];
	_ =	sdelay $0x3  }
0x97: {  	_ =	strace s4  }
0x98: {  	_ =	strace $0x8FFFFFFF  }
0x99: {  	s19 =	sld [smem:$0x3FDB];
	_ =	sdelay $0x1  }
0x9a: {  	s5 =	simm.s32 $_scs_section_size  }
0x9b: {  	s6 =	simm.s32 $_size__tile_overlayer_lowered;
	s7 =	simm.s32 $_tile_overlayer_lowered  }
0x9c: {  	s22 =	simm.s32 $0x1BFF;
	s21 =	sshll.u32 s7, $0x1;
	s4 =	sadd.s32 s5, s19  }
0x9d: {  	s8 =	simm.s32 $0x0;
	s20 =	sshll.u32 s6, $0x1;
	s6 =	sadd.s32 s21, s4  }
0x9e: {  	[timem:s8], [sflag:s22] =	dma.local [hbm:s6], s20  }
0x9f: {  	_ =	swait.ge [sflag:s22], s20  }
0xa0: {  	s5 =	ssub.s32 $0x0, s20;
	[sflag:s22] =	ssyncset.done $0x0  }
0xa1: {  	[sflag:s22] =	ssyncadd.s32 s5;
	_ =	sdelay $0x1  }
0xa2: {  	s23 =	simm.s32 $0x1B8B  }
0xa3: {  	_ =	swait.ge [sflag:s23], $0x1  }
0xa4: {  	[sflag:s23] =	ssyncset.done $0x0  }
0xa5: {  	s25 =	simm.s32 $0x1B8E;
	s24 =	sld [smem:$0x3FFE];
	[sflag:s23] =	ssyncadd.s32 $0xFFFFFFFF  }
0xa6: {  	s26 =	simm.s32 $execute0_lowered;
	[smem:$0x3FD2] =	sst s25  }
0xa7: {  	s6 =	sshll.u32 s26, $0x1;
	_ =	strace $0x80000046;
	[dreg:$0x1] =	wrdreg $0xFFFFFFFF  }
0xa8: {  	s28 =	simm.s32 $_size_execute0_lowered;
	s4 =	sadd.s32 s4, s6;
	[dreg:$0x0] =	wrdreg $0x0  }
0xa9: {  	s6 =	sshll.u32 s28, $0x1;
	[dreg:$0x2] =	wrdreg s4  }
0xaa: {  	[dreg:$0x3] =	wrdreg s6  }
0xab: {  	[dreg:$0x4] =	wrdreg $0xC0  }
0xac: {  	_ =	task [dreg:s8], $0x5FFFF  }
0xad: {  	[dreg:$0x1] =	wrdreg $0xFFFFFFFF  }
0xae: {  	[dreg:$0x0] =	wrdreg $0x60  }
0xaf: {  	[dreg:$0x2] =	wrdreg s2  }
0xb0: {  	[dreg:$0x3] =	wrdreg s18  }
0xb1: {  	[dreg:$0x4] =	wrdreg s24  }
0xb2: {  	[dreg:$0x5] =	wrdreg $0x52000  }
0xb3: {  	[dreg:$0x6] =	wrdreg $0x9  }
0xb4: {  	_ =	task.clear_ibuf [dreg:s8], $0x7FFFF;
	_ =	strace $0x90000046  }
0xb5: {  	s29 =	simm.s32 $0x9;
	_ =	strace $0x80000048  }
0xb6: {  	_ =	swait.ge [sflag:s29], $0x1  }
0xb7: {  	[sflag:s29] =	ssyncadd.s32 $0xFFFFFFFF  }
0xb8: {  	_ =	strace $0x90000048  }
0xb9: {  	_ =	sfence  }
0xba: {  	s30 =	sld [smem:$0x0];
	_ =	sdelay $0x2  }
0xbb: {  	s31 =	sshll.u32 s1, $0xD;
	s1 =	sshrl.u32 s1, $0x2  }
0xbc: {  	s3 =	sand.u32 $0x4000, s31;
	s1 =	sadd.s32 s1, s30  }
0xbd: {  	s0 =	sor.u32 s3, s0;
	s1 =	sshll.u32 s1, $0x11  }
0xbe: {  	s0 =	sor.u32 s1, s0  }
0xbf: {  	s0 =	sadd.s32 $0x8F2B, s0  }
0xc0: {  	[sflag:s0] =	ssyncadd.remote.s32 $0x1  }
0xc1: {  	_ =	sfence.sel $0xFFFF  }
0xc2: {  	[dreg:$0x0] =	wrdreg $0xFFFFFFFF;
	(pc) =	sbr.abs _section_cstart, $3  }
0xc3: {  	[dreg:$0x1] =	wrdreg $0xFFFFFFFF  }
0xc4: {  	_ =	task.clear_ibuf [dreg:s8], $0x2FFFF;
	_ =	strace $0x9FFFFFFF  }
0xc5: {  	(tm) =	ssettm $0x7FFFFFFF  }
tec
execute0_lowered:
.L_overlay_start_1:
0x0: {  	(tag) =	ssettag $0x1  }
0x1: {  	s5 =	rddreg [dreg:$0x0]  }
0x2: {  	s8 =	rddreg [dreg:$0x1]  }
0x3: {  	s4 =	rddreg [dreg:$0x2]  }
0x4: {  	s2 =	rddreg [dreg:$0x3]  }
0x5: {  	s0 =	rddreg [dreg:$0x4]  }
0x6: {  	s3 =	simm.s32 $0x0;
	s6 =	srdreg.scid;
	s1 =	stileid.u32  }
0x7: {  	s15 =	simm.s32 $0x0;
	[smem:$0x7FF] =	sst s3;
	s6 =	sand.u32 $0x1, s6  }
0x8: {  	s7 =	sshll.u32 s1, $0x1;
	s10 =	sadd.s32 $0x1600, s4;
	s12 =	smul.u32 $0x280, s1  }
0x9: {  	s13 =	sshll.u32 s1, $0x6;
	_ =	strace $0x80000047;
	s9 =	ssub.s32 $0x2, s6  }
0xa: {  	s7 =	sor.u32 s6, s7;
	p0 =	seq.s32 s6, $0x1;
	s13 =	sor.u32 $0x1C01, s13  }
0xb: {  	s30 =	sshrl.u32 s9, $0x1;
	s11 =	smul.u32 $0x9C0, s7;
	s7 =	sshll.u32 s7, $0x5  }
0xc: {  	s31 =	sshrl.u32 s12, $0x3;
	s8 =	smov.u32 @p0 s10;
	s6 =	sadd.s32 s12, s2  }
0xd: {  	p0 =	sgt.u32 s1, $0x1;
	s10 =	simm.s32 $0x4F80;
	s12 =	simm.s32 $0x4F00  }
0xe: {  	s9 =	ssub.s32 s9, s30;
	s8 =	sadd.s32 s8, s31;
	s14 =	sshrl.u32 s6, $0x3  }
0xf: {  	s4 =	sadd.s32 s5, s11;
	s5 =	sadd.s32 s7, s5;
	s7 =	smax.u32 s9, $0x1  }
0x10: {  	v0 =	vimm.f32 $1.000000000e+00;
	v1 =	vimm.f32 $0.0e+00;
	s9 =	simm.s32 $0x1;
	s11 =	simm.s32 $0x80;
	s5 =	sadd.s32 $0x13800, s5  }
.LBB2_1:
0x11: {  	[tilespmem:$0x4F00] =	vst v0  }
0x12: {  	[tilespmem:$0x4F10] =	vst v0  }
0x13: {  	[tilespmem:$0x4F20] =	vst v0  }
0x14: {  	[tilespmem:$0x4F30] =	vst v0  }
0x15: {  	[tilespmem:$0x4F40] =	vst v0  }
0x16: {  	[tilespmem:$0x4F50] =	vst v0  }
0x17: {  	[tilespmem:$0x4F60] =	vst v0  }
0x18: {  	[tilespmem:$0x4F70] =	vst v0  }
0x19: {  	[tilespmem:$0x4F80] =	vst v1  }
0x1a: {  	[tilespmem:$0x4F90] =	vst v1  }
0x1b: {  	[tilespmem:$0x4FA0] =	vst v1  }
0x1c: {  	[tilespmem:$0x4FB0] =	vst v1  }
0x1d: {  	[tilespmem:$0x4FC0] =	vst v1  }
0x1e: {  	[tilespmem:$0x4FD0] =	vst v1  }
0x1f: {  	[tilespmem:$0x4FE0] =	vst v1  }
0x20: {  	[tilespmem:$0x4FF0] =	vst v1  }
0x21: {  	[tilespmem:$0x5000] =	vst v1  }
0x22: {  	[tilespmem:$0x5010] =	vst v1  }
0x23: {  	[tilespmem:$0x5020] =	vst v1  }
0x24: {  	[tilespmem:$0x5030] =	vst v1  }
0x25: {  	[tilespmem:$0x5040] =	vst v1  }
0x26: {  	[tilespmem:$0x5050] =	vst v1  }
0x27: {  	[tilespmem:$0x5060] =	vst v1  }
0x28: {  	[tilespmem:$0x5070] =	vst v1  }
0x29: {  	[tilespmem:$0x5080] =	vst v1  }
0x2a: {  	[tilespmem:$0x5090] =	vst v1  }
0x2b: {  	[tilespmem:$0x50A0] =	vst v1  }
0x2c: {  	[tilespmem:$0x50B0] =	vst v1  }
0x2d: {  	[tilespmem:$0x50C0] =	vst v1  }
0x2e: {  	[tilespmem:$0x50D0] =	vst v1  }
0x2f: {  	[tilespmem:$0x50E0] =	vst v1  }
0x30: {  	[tilespmem:$0x50F0] =	vst v1  }
0x31: {  	[tilespmem:$0x5100] =	vst v1  }
0x32: {  	[tilespmem:$0x5110] =	vst v1  }
0x33: {  	[tilespmem:$0x5120] =	vst v1  }
0x34: {  	[tilespmem:$0x5130] =	vst v1  }
0x35: {  	[tilespmem:$0x5140] =	vst v1  }
0x36: {  	[tilespmem:$0x5150] =	vst v1  }
0x37: {  	[tilespmem:$0x5160] =	vst v1  }
0x38: {  	[tilespmem:$0x5170] =	vst v1  }
0x39: {  	[tilespmem:$0x5180] =	vst v1  }
0x3a: {  	[tilespmem:$0x5190] =	vst v1  }
0x3b: {  	[tilespmem:$0x51A0] =	vst v1  }
0x3c: {  	[tilespmem:$0x51B0] =	vst v1  }
0x3d: {  	[tilespmem:$0x51C0] =	vst v1  }
0x3e: {  	[tilespmem:$0x51D0] =	vst v1  }
0x3f: {  	[tilespmem:$0x51E0] =	vst v1  }
0x40: {  	[tilespmem:$0x51F0] =	vst v1  }
0x41: {  	[tilespmem:s3], [sflag:$0x1] =	stream.linear.gather [hbm4b:s4+s3], $0x4E00, $0x38;
	[tilespmem:$0x5480] =	vst v63  }
0x42: {  	_ =	swait.ge [sflag:s9], $0x4E00  }
0x43: {  	[sflag:s9] =	ssyncset.done $0x0  }
0x44: {  	s16 =	simm.s32 @!p0 $0x0;
	s17 =	simm.s32 @!p0 $0x4E00;
	[sflag:s9] =	ssyncadd.s32 $0xFFFFB200  }
0x45: {  	[tilespmem:s17], [sflag:$0x1] =	stream.linear.gather @!p0 [hbm4b:s5+s16], $0x100, $0x38;
	[tilespmem:$0x5480] =	vst v63  }
0x46: {  	s16 =	simm.s32 @!p0 $0x1  }
0x47: {  	_ =	swait.ge @!p0 [sflag:s16], $0x100  }
0x48: {  	[sflag:s16] =	ssyncset.done @!p0 $0x0  }
0x49: {  	[sflag:s16] =	ssyncadd.s32 @!p0 $0xFFFFFF00  }
0x4a: {  	[spmem:s6] =	stream.linear.scatter [tilespmem:s10], [sflag:$0x1], $0x280, $0x38;
	[tilespmem:$0x5480] =	vst v63  }
0x4b: {  	_ =	swait.ge [sflag:s9], $0x280  }
0x4c: {  	[sflag:s9] =	ssyncset.done $0x0  }
0x4d: {  	[sflag:s9] =	ssyncadd.s32 $0xFFFFFD80  }
0x4e: {  	s31 =	simm.s32 $0x80;
	[bflag:$0x0] =	sbarrier.arrive $0xFFFF  }
0x4f: {  	[spmem:s2] =	stream.indirect.scatter.add.f32 [tilespmem:s12], [sflag:$0x1], $0x1, s31, s11, $0xb8;
	[tilespmem:$0x5480] =	vst v63  }
0x50: {  	_ =	swait.ge [sflag:s9], $0x80  }
0x51: {  	s16 =	simm.s32 $0x600;
	[sflag:s9] =	ssyncset.done $0x0  }
.LBB2_2:
0x52: {  	s17 =	sshra.s32 s16, $0x2;
	[sflag:s9] =	ssyncadd.s32 $0xFFFFFF80;
	p1 =	sne.s32 s16, $0x13600  }
0x53: {  	[spmem:s2] =	stream.indirect.scatter.add.f32 [tilespmem:s12], [sflag:$0x1], $0x1, s17, s11, $0xb8;
	[tilespmem:$0x5480] =	vst v63  }
.Ltmp0:
0x54: {  	_ = 	snop;
	(pc) =	sbr.rel @p1 .LBB2_2-.Ltmp0, $4  }
0x55: {  	_ = 	snop  }
0x56: {  	s16 =	sadd.s32 $0x400, s16  }
0x57: {  	_ =	swait.ge [sflag:s9], $0x80  }
0x58: {  	[sflag:s9] =	ssyncset.done $0x0  }
0x59: {  	[sflag:s9] =	ssyncadd.s32 $0xFFFFFF80  }
0x5a: {  	s16 =	simm.s32 @!p0 $0x80;
	s17 =	simm.s32 @!p0 $0x4E80;
	s18 =	simm.s32 @!p0 $0x4F00  }
0x5b: {  	[spmem:s2] =	stream.indirect.scatter.add.f32 @!p0 [tilespmem:s18], [sflag:$0x1], $0x1, s17, s16, $0xb8;
	[tilespmem:$0x5480] =	vst v63  }
0x5c: {  	s16 =	simm.s32 @!p0 $0x1  }
0x5d: {  	_ =	swait.ge @!p0 [sflag:s16], $0x80  }
0x5e: {  	s15 =	sadd.s32 $0x1, s15;
	[sflag:s16] =	ssyncset.done @!p0 $0x0  }
0x5f: {  	p1 =	sne.s32 s15, s7;
	[sflag:s16] =	ssyncadd.s32 @!p0 $0xFFFFFF80  }
.Ltmp1:
0x60: {  	[bflag:$0x0] =	sbarrier.arrive $0xFFFF;
	(pc) =	sbr.rel @p1 .LBB2_1-.Ltmp1, $4  }
0x61: {  	[hbm:s8], [sflag:s13] =	dma.local [spmem:s14], $0x50  }
0x62: {  	_ =	swait.ge [sflag:s9], $0x50  }
0x63: {  	[sflag:s9] =	ssyncset.done $0x0  }
0x64: {  	[sflag:s9] =	ssyncadd.s32 $0xFFFFFFB0  }
0x65: {  	_ =	sfence.sel $0x180000  }
0x66: {  	[bflag:$0x0] =	sbarrier.arrive $0xFFFF  }
0x67: {  	p0 =	sne.s32 s1, $0x0;
	_ =	strace $0x90000047  }
0x68: {  	s0 =	sadd.s32 @!p0 $0x100000, s0;
	[bflag:$0x2] =	sbarrier.arrive $0xFFFF  }
0x69: {  	[sflag:s0] =	ssyncadd.tile.s32 @!p0 $0x1;
	_ =	shalt  }
.Lfunc_end2:
_tile_overlayer_lowered:
.L_overlay_start_2:
0x6a: {  	(tag) =	ssettag $0x2  }
0x6b: {  	s0 =	rddreg [dreg:$0x0];
	s2 =	stileid.u32  }
0x6c: {  	s1 =	rddreg [dreg:$0x1];
	p0 =	sne.s32 s2, $0x0  }
0x6d: {  	s3 =	rddreg [dreg:$0x2];
	[bflag:$0x3] =	sbarrier.arrive $0xFFFF;
	s2 =	simm.s32 @!p0 $0x1C01  }
0x6e: {  	[timem:s3], [sflag:s2] =	dma.local @!p0 [hbm:s0], s1  }
0x6f: {  	s0 =	simm.s32 @!p0 $0x1  }
0x70: {  	_ =	swait.ge @!p0 [sflag:s0], s1  }
0x71: {  	s1 =	ssub.s32 @!p0 $0x0, s1;
	[sflag:s0] =	ssyncset.done @!p0 $0x0  }
0x72: {  	[sflag:s0] =	ssyncadd.s32 @!p0 s1  }
0x73: {  	[bflag:$0x3] =	sbarrier.arrive $0xFFFF  }
0x74: {  	_ =	shalt  }

</sc_bundles>
